<compile_context>
chip_gen: v7x
topology: tpu7x:2x2x1
jax: 0.10.2.dev20260603
libtpu: 0.0.44.dev20260713+nightly
codegen_flags: <defaults>
</compile_context>

<pallas_src>
import functools

import jax
import jax.numpy as jnp
from jax import lax
from jax.experimental import pallas as pl
from jax.experimental.pallas import tpu as pltpu
from jax.experimental.pallas import tpu_sc as plsc

B = 16384
C = 10
NC = 2
NS = 16
NW = NC * NS
ROWS_PER_W = B // NW
CHUNK = ROWS_PER_W * C
GROUPS = ROWS_PER_W // 16

_EPS = 1e-7
_ONE_M_EPS = 1.0 - 1e-7
_LN2 = 0.6931471805599453
_SQRT2 = 1.4142135


def _neg_log_f32(p):
    bits = lax.bitcast_convert_type(p, jnp.int32)
    e = lax.shift_right_logical(bits, 23) - 127
    m = lax.bitcast_convert_type(
        (bits & jnp.int32(0x007FFFFF)) | jnp.int32(0x3F800000), jnp.float32)
    big = m > jnp.float32(_SQRT2)
    m = jnp.where(big, m * jnp.float32(0.5), m)
    ef = e.astype(jnp.float32) + jnp.where(big, jnp.float32(1.0), jnp.float32(0.0))
    z = (m - jnp.float32(1.0)) / (m + jnp.float32(1.0))
    z2 = z * z
    poly = z * (jnp.float32(2.0) + z2 * (jnp.float32(2.0 / 3.0)
               + z2 * (jnp.float32(2.0 / 5.0) + z2 * jnp.float32(2.0 / 7.0))))
    return -(ef * jnp.float32(_LN2) + poly)


def _sc_loss_body(soft_hbm, tgt_hbm, out_hbm, soft_v, tgt_v, acc_v, red_v, shared):
    cid = lax.axis_index("c")
    sid = lax.axis_index("s")
    wid = sid * NC + cid
    base = wid * ROWS_PER_W
    pltpu.sync_copy(soft_hbm.at[pl.ds(base, ROWS_PER_W)], soft_v)
    pltpu.sync_copy(tgt_hbm.at[pl.ds(base, ROWS_PER_W)], tgt_v)

    lane_iota = lax.broadcasted_iota(jnp.int32, (16,), 0)

    def group(j, acc):
        rows = j * 16 + lane_iota
        ssum = jnp.zeros((16,), jnp.float32)
        smax = jnp.full((16,), -jnp.inf, jnp.float32)
        sel = jnp.zeros((16,), jnp.float32)
        for cc in range(C):
            cols = jnp.full((16,), cc, jnp.int32)
            t = plsc.load_gather(tgt_v, [rows, cols])
            sv = plsc.load_gather(soft_v, [rows, cols])
            ssum = ssum + sv
            hit = t > smax
            smax = jnp.where(hit, t, smax)
            sel = jnp.where(hit, sv, sel)
        p = sel / ssum
        p = jnp.minimum(jnp.maximum(p, jnp.float32(_EPS)), jnp.float32(_ONE_M_EPS))
        return acc + _neg_log_f32(p)

    acc = lax.fori_loop(0, GROUPS, group, jnp.zeros((16,), jnp.float32))
    acc_v[...] = acc
    pltpu.sync_copy(acc_v, shared.at[sid])
    plsc.subcore_barrier()

    @pl.when(sid == 0)
    def _reduce():
        pltpu.sync_copy(shared, red_v)
        tot = red_v[0, :]
        for i in range(1, NS):
            tot = tot + red_v[i, :]
        total = jnp.sum(tot) * jnp.float32(0.5 / B)
        acc_v[...] = jnp.broadcast_to(total, (16,))
        pltpu.sync_copy(acc_v, out_hbm.at[cid])


@functools.cache
def _sc_loss():
    return pl.kernel(
        _sc_loss_body,
        mesh=plsc.VectorSubcoreMesh(core_axis_name="c", subcore_axis_name="s"),
        compiler_params=pltpu.CompilerParams(
            needs_layout_passes=False,
            use_tc_tiling_on_sc=False,
            skip_device_barrier=True,
            disable_bounds_checks=True,
            disable_semaphore_checks=True,
        ),
        out_type=jax.ShapeDtypeStruct((NC, 16), jnp.float32),
        scratch_types=[
            pltpu.VMEM((ROWS_PER_W, C), jnp.float32),
            pltpu.VMEM((ROWS_PER_W, C), jnp.float32),
            pltpu.VMEM((16,), jnp.float32),
            pltpu.VMEM((NS, 16), jnp.float32),
            pltpu.VMEM_SHARED((NS, 16), jnp.float32),
        ],
    )


def kernel(softmax_output, ef_out, targets):
    partials = _sc_loss()(softmax_output, targets)
    loss = partials[0, 0] + partials[1, 0]
    return (softmax_output, ef_out, loss)

# --- scband reference (transcript-rebuilt; emitter-appended) ---
"""Pipeline reference for scband-endpoint-ee-87497073754283 (READ-ONLY COPY).

The authoritative reference and input builder live on the scoring server;
editing this copy changes nothing except your own understanding.
"""

import jax, jax.numpy as jnp
import numpy as np

B = 16384
C = 10

def setup_inputs(seed: int = 0) -> dict:
    key = jax.random.key(seed)
    k1, k2, k3 = jax.random.split(key, 3)
    softmax_output = jax.random.uniform(k1, (B, C), dtype=jnp.float32)
    ef_out = jax.random.uniform(k2, (B, C), dtype=jnp.float32)
    targets = jax.random.uniform(k3, (B, C), dtype=jnp.float32)
    return {"softmax_output": softmax_output, "ef_out": ef_out, "targets": targets}

def reference(softmax_output, ef_out, targets):
    W_aux = 0.5
    P_aux = 1.0
    num_classes = C
    eps = 1e-7
    # per-sample: argmax of (one-hot-ish) target
    arg_max_true = jnp.argmax(targets, axis=-1)  # int[B]
    # per-sample top-3 of predicted probs (vectorized version of the python loop)
    values, indices = jax.lax.top_k(softmax_output, 3)
    # branch: if true class is top-1 AND margin (top1-top2) <= 0.3 -> on_value 1.0 else P_aux
    # (note: P_aux == 1.0 so both branches coincide, but we keep the structure faithful)
    cond = jnp.logical_and(arg_max_true == indices[:, 0], (values[:, 0] - values[:, 1]) <= jnp.float32(0.3))
    on_val = jnp.where(cond, jnp.float32(1.0), jnp.float32(P_aux))
    y_true_transformed = jax.nn.one_hot(arg_max_true, num_classes, dtype=jnp.float32) * on_val[:, None]
    # Keras CategoricalCrossentropy(from_logits=False): normalize, clip, -sum(t*log(p)), mean over batch
    y_pred = softmax_output / jnp.sum(softmax_output, axis=-1, keepdims=True)
    y_pred = jnp.clip(y_pred, eps, 1.0 - eps)
    loss_cce = jnp.mean(-jnp.sum(y_true_transformed * jnp.log(y_pred), axis=-1))
    loss = W_aux * loss_cce
    # call() returns (softmax_output, ef_out) and registers loss via add_loss; we surface all three
    return (softmax_output, ef_out, loss)

if __name__ == "__main__":
    import jax
    _d = setup_inputs()
    print(jax.jit(kernel)(*tuple(_d.values())))

</pallas_src>

<mosaic_0001>
#map = affine_map<(d0, d1) -> (0, 0)>
module attributes {stable_mosaic.version = 14 : i64} {
  func.func @_sc_loss_body(%arg0: i32, %arg1: i32, %arg2: memref<16384x10xf32, #tpu.memory_space<hbm>>, %arg3: memref<16384x10xf32, #tpu.memory_space<hbm>>, %arg4: memref<2x16xf32, #tpu.memory_space<hbm>>, %arg5: memref<512x10xf32, #tpu.memory_space<vmem>>, %arg6: memref<512x10xf32, #tpu.memory_space<vmem>>, %arg7: memref<16xf32, #tpu.memory_space<vmem>>, %arg8: memref<16x16xf32, #tpu.memory_space<vmem>>, %arg9: memref<16x16xf32, #tpu.memory_space<vmem_shared>>) attributes {dimension_semantics = [#tpu.dimension_semantics<core_parallel>, #tpu.dimension_semantics<subcore_parallel>], iteration_bounds = array<i64: 2, 16>, scalar_prefetch = 0 : i64, scratch_operands = 5 : i64, tpu.core_type = #tpu.core_type<sc_vector_subcore>, window_params = [{transform_indices = #map}, {transform_indices = #map}, {transform_indices = #map}]} {
    %mul3A = arith.constant 2 : i32
    %mul3A_0 = arith.muli %arg1, %mul3A : i32
    %add3A = arith.addi %mul3A_0, %arg0 : i32
    %mul3A_1 = arith.constant 512 : i32
    %mul3A_2 = arith.muli %add3A, %mul3A_1 : i32
    "tpu.region"() ({
      %run_scoped3A = tpu.sem_alloc : memref<!tpu.dma_semaphore, #tpu.memory_space<semaphore_mem>>
      %dma_start3A = arith.constant 0 : i32
      %dma_start3A_12 = tpu.memref_slice %arg2[%mul3A_2, %dma_start3A] : memref<16384x10xf32, #tpu.memory_space<hbm>> -> memref<512x10xf32, #tpu.memory_space<hbm>>
      %dma_start3A_13 = arith.constant 0 : i32
      %dma_start3A_14 = tpu.memref_slice %arg2[%mul3A_2, %dma_start3A_13] : memref<16384x10xf32, #tpu.memory_space<hbm>> -> memref<512x10xf32, #tpu.memory_space<hbm>>
      tpu.enqueue_dma source(%dma_start3A_14 : memref<512x10xf32, #tpu.memory_space<hbm>>) target(%arg5 : memref<512x10xf32, #tpu.memory_space<vmem>>) target_semaphore(%run_scoped3A : memref<!tpu.dma_semaphore, #tpu.memory_space<semaphore_mem>>)
      %dma_wait3A = arith.constant 0 : i32
      %dma_wait3A_15 = tpu.memref_slice %arg2[%mul3A_2, %dma_wait3A] : memref<16384x10xf32, #tpu.memory_space<hbm>> -> memref<512x10xf32, #tpu.memory_space<hbm>>
      %dma_wait3A_16 = arith.constant 0 : i32
      %dma_wait3A_17 = tpu.memref_slice %arg2[%mul3A_2, %dma_wait3A_16] : memref<16384x10xf32, #tpu.memory_space<hbm>> -> memref<512x10xf32, #tpu.memory_space<hbm>>
      tpu.wait_dma2 semaphore(%run_scoped3A : memref<!tpu.dma_semaphore, #tpu.memory_space<semaphore_mem>>) src(%dma_wait3A_17 : memref<512x10xf32, #tpu.memory_space<hbm>>) dst(%arg5 : memref<512x10xf32, #tpu.memory_space<vmem>>)
      tpu.yield
    }) : () -> ()
    "tpu.region"() ({
      %run_scoped3A = tpu.sem_alloc : memref<!tpu.dma_semaphore, #tpu.memory_space<semaphore_mem>>
      %dma_start3A = arith.constant 0 : i32
      %dma_start3A_12 = tpu.memref_slice %arg3[%mul3A_2, %dma_start3A] : memref<16384x10xf32, #tpu.memory_space<hbm>> -> memref<512x10xf32, #tpu.memory_space<hbm>>
      %dma_start3A_13 = arith.constant 0 : i32
      %dma_start3A_14 = tpu.memref_slice %arg3[%mul3A_2, %dma_start3A_13] : memref<16384x10xf32, #tpu.memory_space<hbm>> -> memref<512x10xf32, #tpu.memory_space<hbm>>
      tpu.enqueue_dma source(%dma_start3A_14 : memref<512x10xf32, #tpu.memory_space<hbm>>) target(%arg6 : memref<512x10xf32, #tpu.memory_space<vmem>>) target_semaphore(%run_scoped3A : memref<!tpu.dma_semaphore, #tpu.memory_space<semaphore_mem>>)
      %dma_wait3A = arith.constant 0 : i32
      %dma_wait3A_15 = tpu.memref_slice %arg3[%mul3A_2, %dma_wait3A] : memref<16384x10xf32, #tpu.memory_space<hbm>> -> memref<512x10xf32, #tpu.memory_space<hbm>>
      %dma_wait3A_16 = arith.constant 0 : i32
      %dma_wait3A_17 = tpu.memref_slice %arg3[%mul3A_2, %dma_wait3A_16] : memref<16384x10xf32, #tpu.memory_space<hbm>> -> memref<512x10xf32, #tpu.memory_space<hbm>>
      tpu.wait_dma2 semaphore(%run_scoped3A : memref<!tpu.dma_semaphore, #tpu.memory_space<semaphore_mem>>) src(%dma_wait3A_17 : memref<512x10xf32, #tpu.memory_space<hbm>>) dst(%arg6 : memref<512x10xf32, #tpu.memory_space<vmem>>)
      tpu.yield
    }) : () -> ()
    %iota3A = tpu.iota {dimensions = array<i32: 0>} : vector<16xi32>
    %broadcast_in_dim3A = arith.constant 0.000000e+00 : f32
    %broadcast_in_dim3A_3 = vector.broadcast %broadcast_in_dim3A : f32 to vector<16xf32>
    %scan3A = arith.constant 0 : i32
    %scan3A_4 = arith.constant 32 : i32
    %scan3A_5 = arith.addi %scan3A, %scan3A_4 : i32
    %scan3A_6 = arith.constant 1 : i32
    %scan3A_7 = scf.for %scan3A_12 = %scan3A to %scan3A_5 step %scan3A_6 iter_args(%scan3A_13 = %broadcast_in_dim3A_3) -> (vector<16xf32>)  : i32 {
      %mul3A_14 = arith.constant 16 : i32
      %mul3A_15 = arith.muli %scan3A_12, %mul3A_14 : i32
      %add3A_16 = vector.broadcast %mul3A_15 : i32 to vector<16xi32>
      %add3A_17 = arith.addi %add3A_16, %iota3A : vector<16xi32>
      %broadcast_in_dim3A_18 = arith.constant 0.000000e+00 : f32
      %broadcast_in_dim3A_19 = vector.broadcast %broadcast_in_dim3A_18 : f32 to vector<16xf32>
      %broadcast_in_dim3A_20 = arith.constant 0xFF800000 : f32
      %broadcast_in_dim3A_21 = vector.broadcast %broadcast_in_dim3A_20 : f32 to vector<16xf32>
      %broadcast_in_dim3A_22 = arith.constant 0.000000e+00 : f32
      %broadcast_in_dim3A_23 = vector.broadcast %broadcast_in_dim3A_22 : f32 to vector<16xf32>
      %broadcast_in_dim3A_24 = arith.constant 0 : i32
      %broadcast_in_dim3A_25 = vector.broadcast %broadcast_in_dim3A_24 : i32 to vector<16xi32>
      %gather3A = tpu.vector_load_idx %arg6[%add3A_17, %broadcast_in_dim3A_25] : memref<512x10xf32, #tpu.memory_space<vmem>>[vector<16xi32>, vector<16xi32>], vector<16xf32>,
      %gather3A_26 = tpu.vector_load_idx %arg5[%add3A_17, %broadcast_in_dim3A_25] : memref<512x10xf32, #tpu.memory_space<vmem>>[vector<16xi32>, vector<16xi32>], vector<16xf32>,
      %add3A_27 = arith.addf %broadcast_in_dim3A_19, %gather3A_26 : vector<16xf32>
      %gt3A = arith.cmpf ogt, %gather3A, %broadcast_in_dim3A_21 : vector<16xf32>
      %select_n3A = arith.select %gt3A, %gather3A, %broadcast_in_dim3A_21 : vector<16xi1>, vector<16xf32>
      %select_n3A_28 = arith.select %gt3A, %gather3A_26, %broadcast_in_dim3A_23 : vector<16xi1>, vector<16xf32>
      %broadcast_in_dim3A_29 = arith.constant 1 : i32
      %broadcast_in_dim3A_30 = vector.broadcast %broadcast_in_dim3A_29 : i32 to vector<16xi32>
      %gather3A_31 = tpu.vector_load_idx %arg6[%add3A_17, %broadcast_in_dim3A_30] : memref<512x10xf32, #tpu.memory_space<vmem>>[vector<16xi32>, vector<16xi32>], vector<16xf32>,
      %gather3A_32 = tpu.vector_load_idx %arg5[%add3A_17, %broadcast_in_dim3A_30] : memref<512x10xf32, #tpu.memory_space<vmem>>[vector<16xi32>, vector<16xi32>], vector<16xf32>,
      %add3A_33 = arith.addf %add3A_27, %gather3A_32 : vector<16xf32>
      %gt3A_34 = arith.cmpf ogt, %gather3A_31, %select_n3A : vector<16xf32>
      %select_n3A_35 = arith.select %gt3A_34, %gather3A_31, %select_n3A : vector<16xi1>, vector<16xf32>
      %select_n3A_36 = arith.select %gt3A_34, %gather3A_32, %select_n3A_28 : vector<16xi1>, vector<16xf32>
      %broadcast_in_dim3A_37 = arith.constant 2 : i32
      %broadcast_in_dim3A_38 = vector.broadcast %broadcast_in_dim3A_37 : i32 to vector<16xi32>
      %gather3A_39 = tpu.vector_load_idx %arg6[%add3A_17, %broadcast_in_dim3A_38] : memref<512x10xf32, #tpu.memory_space<vmem>>[vector<16xi32>, vector<16xi32>], vector<16xf32>,
      %gather3A_40 = tpu.vector_load_idx %arg5[%add3A_17, %broadcast_in_dim3A_38] : memref<512x10xf32, #tpu.memory_space<vmem>>[vector<16xi32>, vector<16xi32>], vector<16xf32>,
      %add3A_41 = arith.addf %add3A_33, %gather3A_40 : vector<16xf32>
      %gt3A_42 = arith.cmpf ogt, %gather3A_39, %select_n3A_35 : vector<16xf32>
      %select_n3A_43 = arith.select %gt3A_42, %gather3A_39, %select_n3A_35 : vector<16xi1>, vector<16xf32>
      %select_n3A_44 = arith.select %gt3A_42, %gather3A_40, %select_n3A_36 : vector<16xi1>, vector<16xf32>
      %broadcast_in_dim3A_45 = arith.constant 3 : i32
      %broadcast_in_dim3A_46 = vector.broadcast %broadcast_in_dim3A_45 : i32 to vector<16xi32>
      %gather3A_47 = tpu.vector_load_idx %arg6[%add3A_17, %broadcast_in_dim3A_46] : memref<512x10xf32, #tpu.memory_space<vmem>>[vector<16xi32>, vector<16xi32>], vector<16xf32>,
      %gather3A_48 = tpu.vector_load_idx %arg5[%add3A_17, %broadcast_in_dim3A_46] : memref<512x10xf32, #tpu.memory_space<vmem>>[vector<16xi32>, vector<16xi32>], vector<16xf32>,
      %add3A_49 = arith.addf %add3A_41, %gather3A_48 : vector<16xf32>
      %gt3A_50 = arith.cmpf ogt, %gather3A_47, %select_n3A_43 : vector<16xf32>
      %select_n3A_51 = arith.select %gt3A_50, %gather3A_47, %select_n3A_43 : vector<16xi1>, vector<16xf32>
      %select_n3A_52 = arith.select %gt3A_50, %gather3A_48, %select_n3A_44 : vector<16xi1>, vector<16xf32>
      %broadcast_in_dim3A_53 = arith.constant 4 : i32
      %broadcast_in_dim3A_54 = vector.broadcast %broadcast_in_dim3A_53 : i32 to vector<16xi32>
      %gather3A_55 = tpu.vector_load_idx %arg6[%add3A_17, %broadcast_in_dim3A_54] : memref<512x10xf32, #tpu.memory_space<vmem>>[vector<16xi32>, vector<16xi32>], vector<16xf32>,
      %gather3A_56 = tpu.vector_load_idx %arg5[%add3A_17, %broadcast_in_dim3A_54] : memref<512x10xf32, #tpu.memory_space<vmem>>[vector<16xi32>, vector<16xi32>], vector<16xf32>,
      %add3A_57 = arith.addf %add3A_49, %gather3A_56 : vector<16xf32>
      %gt3A_58 = arith.cmpf ogt, %gather3A_55, %select_n3A_51 : vector<16xf32>
      %select_n3A_59 = arith.select %gt3A_58, %gather3A_55, %select_n3A_51 : vector<16xi1>, vector<16xf32>
      %select_n3A_60 = arith.select %gt3A_58, %gather3A_56, %select_n3A_52 : vector<16xi1>, vector<16xf32>
      %broadcast_in_dim3A_61 = arith.constant 5 : i32
      %broadcast_in_dim3A_62 = vector.broadcast %broadcast_in_dim3A_61 : i32 to vector<16xi32>
      %gather3A_63 = tpu.vector_load_idx %arg6[%add3A_17, %broadcast_in_dim3A_62] : memref<512x10xf32, #tpu.memory_space<vmem>>[vector<16xi32>, vector<16xi32>], vector<16xf32>,
      %gather3A_64 = tpu.vector_load_idx %arg5[%add3A_17, %broadcast_in_dim3A_62] : memref<512x10xf32, #tpu.memory_space<vmem>>[vector<16xi32>, vector<16xi32>], vector<16xf32>,
      %add3A_65 = arith.addf %add3A_57, %gather3A_64 : vector<16xf32>
      %gt3A_66 = arith.cmpf ogt, %gather3A_63, %select_n3A_59 : vector<16xf32>
      %select_n3A_67 = arith.select %gt3A_66, %gather3A_63, %select_n3A_59 : vector<16xi1>, vector<16xf32>
      %select_n3A_68 = arith.select %gt3A_66, %gather3A_64, %select_n3A_60 : vector<16xi1>, vector<16xf32>
      %broadcast_in_dim3A_69 = arith.constant 6 : i32
      %broadcast_in_dim3A_70 = vector.broadcast %broadcast_in_dim3A_69 : i32 to vector<16xi32>
      %gather3A_71 = tpu.vector_load_idx %arg6[%add3A_17, %broadcast_in_dim3A_70] : memref<512x10xf32, #tpu.memory_space<vmem>>[vector<16xi32>, vector<16xi32>], vector<16xf32>,
      %gather3A_72 = tpu.vector_load_idx %arg5[%add3A_17, %broadcast_in_dim3A_70] : memref<512x10xf32, #tpu.memory_space<vmem>>[vector<16xi32>, vector<16xi32>], vector<16xf32>,
      %add3A_73 = arith.addf %add3A_65, %gather3A_72 : vector<16xf32>
      %gt3A_74 = arith.cmpf ogt, %gather3A_71, %select_n3A_67 : vector<16xf32>
      %select_n3A_75 = arith.select %gt3A_74, %gather3A_71, %select_n3A_67 : vector<16xi1>, vector<16xf32>
      %select_n3A_76 = arith.select %gt3A_74, %gather3A_72, %select_n3A_68 : vector<16xi1>, vector<16xf32>
      %broadcast_in_dim3A_77 = arith.constant 7 : i32
      %broadcast_in_dim3A_78 = vector.broadcast %broadcast_in_dim3A_77 : i32 to vector<16xi32>
      %gather3A_79 = tpu.vector_load_idx %arg6[%add3A_17, %broadcast_in_dim3A_78] : memref<512x10xf32, #tpu.memory_space<vmem>>[vector<16xi32>, vector<16xi32>], vector<16xf32>,
      %gather3A_80 = tpu.vector_load_idx %arg5[%add3A_17, %broadcast_in_dim3A_78] : memref<512x10xf32, #tpu.memory_space<vmem>>[vector<16xi32>, vector<16xi32>], vector<16xf32>,
      %add3A_81 = arith.addf %add3A_73, %gather3A_80 : vector<16xf32>
      %gt3A_82 = arith.cmpf ogt, %gather3A_79, %select_n3A_75 : vector<16xf32>
      %select_n3A_83 = arith.select %gt3A_82, %gather3A_79, %select_n3A_75 : vector<16xi1>, vector<16xf32>
      %select_n3A_84 = arith.select %gt3A_82, %gather3A_80, %select_n3A_76 : vector<16xi1>, vector<16xf32>
      %broadcast_in_dim3A_85 = arith.constant 8 : i32
      %broadcast_in_dim3A_86 = vector.broadcast %broadcast_in_dim3A_85 : i32 to vector<16xi32>
      %gather3A_87 = tpu.vector_load_idx %arg6[%add3A_17, %broadcast_in_dim3A_86] : memref<512x10xf32, #tpu.memory_space<vmem>>[vector<16xi32>, vector<16xi32>], vector<16xf32>,
      %gather3A_88 = tpu.vector_load_idx %arg5[%add3A_17, %broadcast_in_dim3A_86] : memref<512x10xf32, #tpu.memory_space<vmem>>[vector<16xi32>, vector<16xi32>], vector<16xf32>,
      %add3A_89 = arith.addf %add3A_81, %gather3A_88 : vector<16xf32>
      %gt3A_90 = arith.cmpf ogt, %gather3A_87, %select_n3A_83 : vector<16xf32>
      %select_n3A_91 = arith.select %gt3A_90, %gather3A_87, %select_n3A_83 : vector<16xi1>, vector<16xf32>
      %select_n3A_92 = arith.select %gt3A_90, %gather3A_88, %select_n3A_84 : vector<16xi1>, vector<16xf32>
      %broadcast_in_dim3A_93 = arith.constant 9 : i32
      %broadcast_in_dim3A_94 = vector.broadcast %broadcast_in_dim3A_93 : i32 to vector<16xi32>
      %gather3A_95 = tpu.vector_load_idx %arg6[%add3A_17, %broadcast_in_dim3A_94] : memref<512x10xf32, #tpu.memory_space<vmem>>[vector<16xi32>, vector<16xi32>], vector<16xf32>,
      %gather3A_96 = tpu.vector_load_idx %arg5[%add3A_17, %broadcast_in_dim3A_94] : memref<512x10xf32, #tpu.memory_space<vmem>>[vector<16xi32>, vector<16xi32>], vector<16xf32>,
      %add3A_97 = arith.addf %add3A_89, %gather3A_96 : vector<16xf32>
      %gt3A_98 = arith.cmpf ogt, %gather3A_95, %select_n3A_91 : vector<16xf32>
      %select_n3A_99 = arith.select %gt3A_98, %gather3A_95, %select_n3A_91 : vector<16xi1>, vector<16xf32>
      %select_n3A_100 = arith.select %gt3A_98, %gather3A_96, %select_n3A_92 : vector<16xi1>, vector<16xf32>
      %div3A = arith.divf %select_n3A_100, %add3A_97 : vector<16xf32>
      %max3A = arith.constant 1.000000e-07 : f32
      %max3A_101 = vector.broadcast %max3A : f32 to vector<16xf32>
      %max3A_102 = arith.maximumf %div3A, %max3A_101 : vector<16xf32>
      %min3A = arith.constant 0.99999988 : f32
      %min3A_103 = vector.broadcast %min3A : f32 to vector<16xf32>
      %min3A_104 = arith.minimumf %max3A_102, %min3A_103 : vector<16xf32>
      %bitcast_convert_type3A = tpu.bitcast %min3A_104 : vector<16xf32> -> vector<16xi32>
      %shift_right_logical3A = arith.constant 23 : i32
      %shift_right_logical3A_105 = vector.broadcast %shift_right_logical3A : i32 to vector<16xi32>
      %shift_right_logical3A_106 = arith.shrui %bitcast_convert_type3A, %shift_right_logical3A_105 : vector<16xi32>
      %sub3A = arith.constant 127 : i32
      %sub3A_107 = vector.broadcast %sub3A : i32 to vector<16xi32>
      %sub3A_108 = arith.subi %shift_right_logical3A_106, %sub3A_107 : vector<16xi32>
      %and3A = arith.constant 8388607 : i32
      %and3A_109 = vector.broadcast %and3A : i32 to vector<16xi32>
      %and3A_110 = arith.andi %bitcast_convert_type3A, %and3A_109 : vector<16xi32>
      %or3A = arith.constant 1065353216 : i32
      %or3A_111 = vector.broadcast %or3A : i32 to vector<16xi32>
      %or3A_112 = arith.ori %and3A_110, %or3A_111 : vector<16xi32>
      %bitcast_convert_type3A_113 = tpu.bitcast %or3A_112 : vector<16xi32> -> vector<16xf32>
      %gt3A_114 = arith.constant 1.41421354 : f32
      %gt3A_115 = vector.broadcast %gt3A_114 : f32 to vector<16xf32>
      %gt3A_116 = arith.cmpf ogt, %bitcast_convert_type3A_113, %gt3A_115 : vector<16xf32>
      %mul3A_117 = arith.constant 5.000000e-01 : f32
      %mul3A_118 = vector.broadcast %mul3A_117 : f32 to vector<16xf32>
      %mul3A_119 = arith.mulf %bitcast_convert_type3A_113, %mul3A_118 : vector<16xf32>
      %select_n3A_120 = arith.select %gt3A_116, %mul3A_119, %bitcast_convert_type3A_113 : vector<16xi1>, vector<16xf32>
      %convert_element_type3A_121 = arith.sitofp %sub3A_108 : vector<16xi32> to vector<16xf32>
      %jit3A = arith.constant 1.000000e+00 : f32
      %jit3A_122 = arith.constant 0.000000e+00 : f32
      %broadcast_in_dim3A_123 = vector.broadcast %jit3A : f32 to vector<16xf32>
      %broadcast_in_dim3A_124 = vector.broadcast %jit3A_122 : f32 to vector<16xf32>
      %select_n3A_125 = arith.select %gt3A_116, %broadcast_in_dim3A_123, %broadcast_in_dim3A_124 : vector<16xi1>, vector<16xf32>
      %add3A_126 = arith.addf %convert_element_type3A_121, %select_n3A_125 : vector<16xf32>
      %sub3A_127 = arith.constant 1.000000e+00 : f32
      %sub3A_128 = vector.broadcast %sub3A_127 : f32 to vector<16xf32>
      %sub3A_129 = arith.subf %select_n3A_120, %sub3A_128 : vector<16xf32>
      %add3A_130 = arith.constant 1.000000e+00 : f32
      %add3A_131 = vector.broadcast %add3A_130 : f32 to vector<16xf32>
      %add3A_132 = arith.addf %select_n3A_120, %add3A_131 : vector<16xf32>
      %div3A_133 = arith.divf %sub3A_129, %add3A_132 : vector<16xf32>
      %mul3A_134 = arith.mulf %div3A_133, %div3A_133 : vector<16xf32>
      %mul3A_135 = arith.constant 0.285714298 : f32
      %mul3A_136 = vector.broadcast %mul3A_135 : f32 to vector<16xf32>
      %mul3A_137 = arith.mulf %mul3A_134, %mul3A_136 : vector<16xf32>
      %add3A_138 = arith.constant 4.000000e-01 : f32
      %add3A_139 = vector.broadcast %add3A_138 : f32 to vector<16xf32>
      %add3A_140 = arith.addf %add3A_139, %mul3A_137 : vector<16xf32>
      %mul3A_141 = arith.mulf %mul3A_134, %add3A_140 : vector<16xf32>
      %add3A_142 = arith.constant 0.666666686 : f32
      %add3A_143 = vector.broadcast %add3A_142 : f32 to vector<16xf32>
      %add3A_144 = arith.addf %add3A_143, %mul3A_141 : vector<16xf32>
      %mul3A_145 = arith.mulf %mul3A_134, %add3A_144 : vector<16xf32>
      %add3A_146 = arith.constant 2.000000e+00 : f32
      %add3A_147 = vector.broadcast %add3A_146 : f32 to vector<16xf32>
      %add3A_148 = arith.addf %add3A_147, %mul3A_145 : vector<16xf32>
      %mul3A_149 = arith.mulf %div3A_133, %add3A_148 : vector<16xf32>
      %mul3A_150 = arith.constant 0.693147182 : f32
      %mul3A_151 = vector.broadcast %mul3A_150 : f32 to vector<16xf32>
      %mul3A_152 = arith.mulf %add3A_126, %mul3A_151 : vector<16xf32>
      %add3A_153 = arith.addf %mul3A_152, %mul3A_149 : vector<16xf32>
      %neg3A = arith.constant 0.000000e+00 : f32
      %neg3A_154 = vector.broadcast %neg3A : f32 to vector<16xf32>
      %neg3A_155 = arith.subf %neg3A_154, %add3A_153 : vector<16xf32>
      %add3A_156 = arith.addf %scan3A_13, %neg3A_155 : vector<16xf32>
      scf.yield %add3A_156 : vector<16xf32>
    }
    %scan3A_8 = arith.constant 32 : i32
    %swap3A = arith.constant 0 : index
    %swap3A_9 = tpu.vector_load %arg7[%swap3A] {strides = array<i32>} : memref<16xf32, #tpu.memory_space<vmem>>, vector<16xf32>,
    tpu.vector_store %arg7[%swap3A], %scan3A_7 {strides = array<i32>} : memref<16xf32, #tpu.memory_space<vmem>>, vector<16xf32>,
    "tpu.region"() ({
      %run_scoped3A = tpu.sem_alloc : memref<!tpu.dma_semaphore, #tpu.memory_space<semaphore_mem>>
      %dma_start3A = arith.constant 0 : i32
      %dma_start3A_12 = tpu.memref_slice %arg9[%arg1, %dma_start3A] : memref<16x16xf32, #tpu.memory_space<vmem_shared>> -> memref<1x16xf32, #tpu.memory_space<vmem_shared>>
      %dma_start3A_13 = tpu.memref_squeeze %dma_start3A_12 : memref<1x16xf32, #tpu.memory_space<vmem_shared>> -> memref<16xf32, #tpu.memory_space<vmem_shared>>
      %dma_start3A_14 = arith.constant 0 : i32
      %dma_start3A_15 = tpu.memref_slice %arg9[%arg1, %dma_start3A_14] : memref<16x16xf32, #tpu.memory_space<vmem_shared>> -> memref<1x16xf32, #tpu.memory_space<vmem_shared>>
      %dma_start3A_16 = tpu.memref_squeeze %dma_start3A_15 : memref<1x16xf32, #tpu.memory_space<vmem_shared>> -> memref<16xf32, #tpu.memory_space<vmem_shared>>
      tpu.enqueue_dma source(%arg7 : memref<16xf32, #tpu.memory_space<vmem>>) target(%dma_start3A_16 : memref<16xf32, #tpu.memory_space<vmem_shared>>) target_semaphore(%run_scoped3A : memref<!tpu.dma_semaphore, #tpu.memory_space<semaphore_mem>>)
      %dma_wait3A = arith.constant 0 : i32
      %dma_wait3A_17 = tpu.memref_slice %arg9[%arg1, %dma_wait3A] : memref<16x16xf32, #tpu.memory_space<vmem_shared>> -> memref<1x16xf32, #tpu.memory_space<vmem_shared>>
      %dma_wait3A_18 = tpu.memref_squeeze %dma_wait3A_17 : memref<1x16xf32, #tpu.memory_space<vmem_shared>> -> memref<16xf32, #tpu.memory_space<vmem_shared>>
      %dma_wait3A_19 = arith.constant 0 : i32
      %dma_wait3A_20 = tpu.memref_slice %arg9[%arg1, %dma_wait3A_19] : memref<16x16xf32, #tpu.memory_space<vmem_shared>> -> memref<1x16xf32, #tpu.memory_space<vmem_shared>>
      %dma_wait3A_21 = tpu.memref_squeeze %dma_wait3A_20 : memref<1x16xf32, #tpu.memory_space<vmem_shared>> -> memref<16xf32, #tpu.memory_space<vmem_shared>>
      tpu.wait_dma2 semaphore(%run_scoped3A : memref<!tpu.dma_semaphore, #tpu.memory_space<semaphore_mem>>) src(%arg7 : memref<16xf32, #tpu.memory_space<vmem>>) dst(%dma_wait3A_21 : memref<16xf32, #tpu.memory_space<vmem_shared>>)
      tpu.yield
    }) : () -> ()
    %barrier3A = arith.constant 0 : index
    tpu.barrier barrier_id(%barrier3A)
    %eq3A = arith.constant 0 : i32
    %eq3A_10 = arith.cmpi eq, %arg1, %eq3A : i32
    %convert_element_type3A = arith.extui %eq3A_10 : i1 to i32
    %cond3A = arith.constant 0 : i32
    %cond3A_11 = arith.cmpi ne, %convert_element_type3A, %cond3A : i32
    scf.if %cond3A_11 {
      "tpu.region"() ({
        %run_scoped3A = tpu.sem_alloc : memref<!tpu.dma_semaphore, #tpu.memory_space<semaphore_mem>>
        tpu.enqueue_dma source(%arg9 : memref<16x16xf32, #tpu.memory_space<vmem_shared>>) target(%arg8 : memref<16x16xf32, #tpu.memory_space<vmem>>) target_semaphore(%run_scoped3A : memref<!tpu.dma_semaphore, #tpu.memory_space<semaphore_mem>>)
        tpu.wait_dma2 semaphore(%run_scoped3A : memref<!tpu.dma_semaphore, #tpu.memory_space<semaphore_mem>>) src(%arg9 : memref<16x16xf32, #tpu.memory_space<vmem_shared>>) dst(%arg8 : memref<16x16xf32, #tpu.memory_space<vmem>>)
        tpu.yield
      }) : () -> ()
      %get3A = arith.constant 0 : i32
      %get3A_12 = arith.index_cast %get3A : i32 to index
      %get3A_13 = arith.constant 0 : index
      %get3A_14 = tpu.vector_load %arg8[%get3A_12, %get3A_13] {strides = array<i32>} : memref<16x16xf32, #tpu.memory_space<vmem>>, vector<16xf32>,
      %get3A_15 = arith.constant 1 : i32
      %get3A_16 = arith.index_cast %get3A_15 : i32 to index
      %get3A_17 = arith.constant 0 : index
      %get3A_18 = tpu.vector_load %arg8[%get3A_16, %get3A_17] {strides = array<i32>} : memref<16x16xf32, #tpu.memory_space<vmem>>, vector<16xf32>,
      %add3A_19 = arith.addf %get3A_14, %get3A_18 : vector<16xf32>
      %get3A_20 = arith.constant 2 : i32
      %get3A_21 = arith.index_cast %get3A_20 : i32 to index
      %get3A_22 = arith.constant 0 : index
      %get3A_23 = tpu.vector_load %arg8[%get3A_21, %get3A_22] {strides = array<i32>} : memref<16x16xf32, #tpu.memory_space<vmem>>, vector<16xf32>,
      %add3A_24 = arith.addf %add3A_19, %get3A_23 : vector<16xf32>
      %get3A_25 = arith.constant 3 : i32
      %get3A_26 = arith.index_cast %get3A_25 : i32 to index
      %get3A_27 = arith.constant 0 : index
      %get3A_28 = tpu.vector_load %arg8[%get3A_26, %get3A_27] {strides = array<i32>} : memref<16x16xf32, #tpu.memory_space<vmem>>, vector<16xf32>,
      %add3A_29 = arith.addf %add3A_24, %get3A_28 : vector<16xf32>
      %get3A_30 = arith.constant 4 : i32
      %get3A_31 = arith.index_cast %get3A_30 : i32 to index
      %get3A_32 = arith.constant 0 : index
      %get3A_33 = tpu.vector_load %arg8[%get3A_31, %get3A_32] {strides = array<i32>} : memref<16x16xf32, #tpu.memory_space<vmem>>, vector<16xf32>,
      %add3A_34 = arith.addf %add3A_29, %get3A_33 : vector<16xf32>
      %get3A_35 = arith.constant 5 : i32
      %get3A_36 = arith.index_cast %get3A_35 : i32 to index
      %get3A_37 = arith.constant 0 : index
      %get3A_38 = tpu.vector_load %arg8[%get3A_36, %get3A_37] {strides = array<i32>} : memref<16x16xf32, #tpu.memory_space<vmem>>, vector<16xf32>,
      %add3A_39 = arith.addf %add3A_34, %get3A_38 : vector<16xf32>
      %get3A_40 = arith.constant 6 : i32
      %get3A_41 = arith.index_cast %get3A_40 : i32 to index
      %get3A_42 = arith.constant 0 : index
      %get3A_43 = tpu.vector_load %arg8[%get3A_41, %get3A_42] {strides = array<i32>} : memref<16x16xf32, #tpu.memory_space<vmem>>, vector<16xf32>,
      %add3A_44 = arith.addf %add3A_39, %get3A_43 : vector<16xf32>
      %get3A_45 = arith.constant 7 : i32
      %get3A_46 = arith.index_cast %get3A_45 : i32 to index
      %get3A_47 = arith.constant 0 : index
      %get3A_48 = tpu.vector_load %arg8[%get3A_46, %get3A_47] {strides = array<i32>} : memref<16x16xf32, #tpu.memory_space<vmem>>, vector<16xf32>,
      %add3A_49 = arith.addf %add3A_44, %get3A_48 : vector<16xf32>
      %get3A_50 = arith.constant 8 : i32
      %get3A_51 = arith.index_cast %get3A_50 : i32 to index
      %get3A_52 = arith.constant 0 : index
      %get3A_53 = tpu.vector_load %arg8[%get3A_51, %get3A_52] {strides = array<i32>} : memref<16x16xf32, #tpu.memory_space<vmem>>, vector<16xf32>,
      %add3A_54 = arith.addf %add3A_49, %get3A_53 : vector<16xf32>
      %get3A_55 = arith.constant 9 : i32
      %get3A_56 = arith.index_cast %get3A_55 : i32 to index
      %get3A_57 = arith.constant 0 : index
      %get3A_58 = tpu.vector_load %arg8[%get3A_56, %get3A_57] {strides = array<i32>} : memref<16x16xf32, #tpu.memory_space<vmem>>, vector<16xf32>,
      %add3A_59 = arith.addf %add3A_54, %get3A_58 : vector<16xf32>
      %get3A_60 = arith.constant 10 : i32
      %get3A_61 = arith.index_cast %get3A_60 : i32 to index
      %get3A_62 = arith.constant 0 : index
      %get3A_63 = tpu.vector_load %arg8[%get3A_61, %get3A_62] {strides = array<i32>} : memref<16x16xf32, #tpu.memory_space<vmem>>, vector<16xf32>,
      %add3A_64 = arith.addf %add3A_59, %get3A_63 : vector<16xf32>
      %get3A_65 = arith.constant 11 : i32
      %get3A_66 = arith.index_cast %get3A_65 : i32 to index
      %get3A_67 = arith.constant 0 : index
      %get3A_68 = tpu.vector_load %arg8[%get3A_66, %get3A_67] {strides = array<i32>} : memref<16x16xf32, #tpu.memory_space<vmem>>, vector<16xf32>,
      %add3A_69 = arith.addf %add3A_64, %get3A_68 : vector<16xf32>
      %get3A_70 = arith.constant 12 : i32
      %get3A_71 = arith.index_cast %get3A_70 : i32 to index
      %get3A_72 = arith.constant 0 : index
      %get3A_73 = tpu.vector_load %arg8[%get3A_71, %get3A_72] {strides = array<i32>} : memref<16x16xf32, #tpu.memory_space<vmem>>, vector<16xf32>,
      %add3A_74 = arith.addf %add3A_69, %get3A_73 : vector<16xf32>
      %get3A_75 = arith.constant 13 : i32
      %get3A_76 = arith.index_cast %get3A_75 : i32 to index
      %get3A_77 = arith.constant 0 : index
      %get3A_78 = tpu.vector_load %arg8[%get3A_76, %get3A_77] {strides = array<i32>} : memref<16x16xf32, #tpu.memory_space<vmem>>, vector<16xf32>,
      %add3A_79 = arith.addf %add3A_74, %get3A_78 : vector<16xf32>
      %get3A_80 = arith.constant 14 : i32
      %get3A_81 = arith.index_cast %get3A_80 : i32 to index
      %get3A_82 = arith.constant 0 : index
      %get3A_83 = tpu.vector_load %arg8[%get3A_81, %get3A_82] {strides = array<i32>} : memref<16x16xf32, #tpu.memory_space<vmem>>, vector<16xf32>,
      %add3A_84 = arith.addf %add3A_79, %get3A_83 : vector<16xf32>
      %get3A_85 = arith.constant 15 : i32
      %get3A_86 = arith.index_cast %get3A_85 : i32 to index
      %get3A_87 = arith.constant 0 : index
      %get3A_88 = tpu.vector_load %arg8[%get3A_86, %get3A_87] {strides = array<i32>} : memref<16x16xf32, #tpu.memory_space<vmem>>, vector<16xf32>,
      %add3A_89 = arith.addf %add3A_84, %get3A_88 : vector<16xf32>
      %reduce_sum3A = arith.constant true
      %reduce_sum3A_90 = vector.broadcast %reduce_sum3A : i1 to vector<16xi1>
      %reduce_sum3A_91 = tpu.scan <sum>, %add3A_89 masked %reduce_sum3A_90 : vector<16xf32>, vector<16xi1> -> vector<16xf32>
      %reduce_sum3A_92 = vector.extract %reduce_sum3A_91[15] : f32 from vector<16xf32>
      %mul3A_93 = arith.constant 3.05175781E-5 : f32
      %mul3A_94 = arith.mulf %reduce_sum3A_92, %mul3A_93 : f32
      %broadcast_in_dim3A_95 = vector.broadcast %mul3A_94 : f32 to vector<16xf32>
      %swap3A_96 = arith.constant 0 : index
      %swap3A_97 = tpu.vector_load %arg7[%swap3A_96] {strides = array<i32>} : memref<16xf32, #tpu.memory_space<vmem>>, vector<16xf32>,
      tpu.vector_store %arg7[%swap3A_96], %broadcast_in_dim3A_95 {strides = array<i32>} : memref<16xf32, #tpu.memory_space<vmem>>, vector<16xf32>,
      "tpu.region"() ({
        %run_scoped3A = tpu.sem_alloc : memref<!tpu.dma_semaphore, #tpu.memory_space<semaphore_mem>>
        %dma_start3A = arith.constant 0 : i32
        %dma_start3A_98 = tpu.memref_slice %arg4[%arg0, %dma_start3A] : memref<2x16xf32, #tpu.memory_space<hbm>> -> memref<1x16xf32, #tpu.memory_space<hbm>>
        %dma_start3A_99 = tpu.memref_squeeze %dma_start3A_98 : memref<1x16xf32, #tpu.memory_space<hbm>> -> memref<16xf32, #tpu.memory_space<hbm>>
        %dma_start3A_100 = arith.constant 0 : i32
        %dma_start3A_101 = tpu.memref_slice %arg4[%arg0, %dma_start3A_100] : memref<2x16xf32, #tpu.memory_space<hbm>> -> memref<1x16xf32, #tpu.memory_space<hbm>>
        %dma_start3A_102 = tpu.memref_squeeze %dma_start3A_101 : memref<1x16xf32, #tpu.memory_space<hbm>> -> memref<16xf32, #tpu.memory_space<hbm>>
        tpu.enqueue_dma source(%arg7 : memref<16xf32, #tpu.memory_space<vmem>>) target(%dma_start3A_102 : memref<16xf32, #tpu.memory_space<hbm>>) target_semaphore(%run_scoped3A : memref<!tpu.dma_semaphore, #tpu.memory_space<semaphore_mem>>)
        %dma_wait3A = arith.constant 0 : i32
        %dma_wait3A_103 = tpu.memref_slice %arg4[%arg0, %dma_wait3A] : memref<2x16xf32, #tpu.memory_space<hbm>> -> memref<1x16xf32, #tpu.memory_space<hbm>>
        %dma_wait3A_104 = tpu.memref_squeeze %dma_wait3A_103 : memref<1x16xf32, #tpu.memory_space<hbm>> -> memref<16xf32, #tpu.memory_space<hbm>>
        %dma_wait3A_105 = arith.constant 0 : i32
        %dma_wait3A_106 = tpu.memref_slice %arg4[%arg0, %dma_wait3A_105] : memref<2x16xf32, #tpu.memory_space<hbm>> -> memref<1x16xf32, #tpu.memory_space<hbm>>
        %dma_wait3A_107 = tpu.memref_squeeze %dma_wait3A_106 : memref<1x16xf32, #tpu.memory_space<hbm>> -> memref<16xf32, #tpu.memory_space<hbm>>
        tpu.wait_dma2 semaphore(%run_scoped3A : memref<!tpu.dma_semaphore, #tpu.memory_space<semaphore_mem>>) src(%arg7 : memref<16xf32, #tpu.memory_space<vmem>>) dst(%dma_wait3A_107 : memref<16xf32, #tpu.memory_space<hbm>>)
        tpu.yield
      }) : () -> ()
    } else {
    }
    return
  }
}

</mosaic_0001>

<sc_bundles>
// kernel: kernel.3.cloned.1.call-start
scs
__scs_entry_jumppad:
0x0: {  	(pc) =	sbr.rel $0x88, $3  }
0x1: {  	(tag) =	ssettag $0x0;
	lr =	simm.s32 $0x1  }
0x2: {  	[smem:$0x3F9E] =	sst lr;
	_ =	strace $0xD0000000  }
0x3: {  	_ = 	snop  }
0x4: {  	_ = 	snop  }
0x5: {  	_ = 	snop  }
0x6: {  	_ = 	snop  }
0x7: {  	_ = 	snop  }
__scs_overlays_trampoline_lowered:
0x8: {  	[smem:$0x3FAD] =	sst s0  }
0x9: {  	[smem:$0x3FAE] =	sst s1  }
0xa: {  	[smem:$0x3FAF] =	sst s2  }
0xb: {  	[smem:$0x3FB0] =	sst s3  }
0xc: {  	[smem:$0x3FB1] =	sst s4  }
0xd: {  	[smem:$0x3FB2] =	sst s5  }
0xe: {  	[smem:$0x3FB3] =	sst s6  }
0xf: {  	[smem:$0x3FB4] =	sst s7  }
0x10: {  	[smem:$0x3FB5] =	sst s8  }
0x11: {  	[smem:$0x3FB6] =	sst s9;
	s0 =	simm.s32 @!p0 $0x0  }
0x12: {  	s1 =	sld [smem:$0x3F9C];
	s0 =	simm.s32 @p0 $0x1  }
0x13: {  	[smem:$0x3FB7] =	sst s0;
	s0 =	simm.s32 @!p1 $0x0  }
0x14: {  	s2 =	sld [smem:$0x3F9B];
	s0 =	simm.s32 @p1 $0x1  }
0x15: {  	[smem:$0x3FB8] =	sst s0;
	s0 =	simm.s32 @!p2 $0x0  }
0x16: {  	s3 =	sld [smem:$0x3FDB];
	s0 =	simm.s32 @p2 $0x1  }
0x17: {  	s4 =	simm.s32 $0x1BF5;
	[smem:$0x3FBA] =	sst s0  }
0x18: {  	s0 =	sld [smem:$0x3F9D];
	_ =	swait.ge [sflag:s4], $0x0  }
0x19: {  	s7 =	sld [smem:$0x3F9E]  }
0x1a: {  	s8 =	sadd.s32 $0xFFFFE003, lr  }
0x1b: {  	s9 =	sadd.s32 $0xFFFFFEF7, lr;
	s5 =	simm.s32 $0xFFFFFFFF;
	p2 =	slt.u32 s8, $0xFFFFF086  }
0x1c: {  	p1 =	slt.u32 s9, $0xF7A;
	s5 =	simm.s32 @!p2 $0x0  }
0x1d: {  	s5 =	simm.s32 @p1 $0x1;
	p0 =	seq.s32 s7, s2  }
0x1e: {  	s7 =	smul.u32 @!p0 $0xF7A, s2;
	p2 =	seq.s32 @!p0 s5, $0x0  }
0x1f: {  	s9 =	smul.u32 $0xF7A, s1;
	s8 =	simm.s32 @!p0 $0x1BF5;
	p2 =	por !p2, p0  }
0x20: {  	[sflag:s8] =	ssyncset.s32 @!p0 $0xFFFFF086;
	s6 =	sadd.s32 @!p0 s3, s7;
	s7 =	simm.s32 @!p0 $0x108  }
0x21: {  	s3 =	sadd.s32 s3, s9;
	s6 =	sadd.s32 @!p0 $0x88, s6;
	s7 =	simm.s32 @p2 $0x1082  }
0x22: {  	[simem:s7], [sflag:s8] =	dma.local @!p0 [hbm:s6], $0xF7A  }
0x23: {  	s9 =	sor.u32 $0xD0000000, s2;
	s6 =	simm.s32 $0x108;
	_ =	swait.ge @!p0 [sflag:s8], $0x0  }
0x24: {  	s3 =	sadd.s32 $0x88, s3;
	s6 =	simm.s32 @!p1 $0x1082;
	[sflag:s4] =	ssyncset.s32 $0xFFFFF086  }
0x25: {  	[simem:s6], [sflag:s4] =	dma.local [hbm:s3], $0xF7A  }
0x26: {  	[smem:$0x3F9E] =	sst s1;
	(tag) =	ssettag s2;
	_ =	strace s9  }
0x27: {  	s1 =	sld [smem:$0x3FAE]  }
0x28: {  	s2 =	sld [smem:$0x3FAF]  }
0x29: {  	s4 =	sld [smem:$0x3FB1]  }
0x2a: {  	p0 =	seq.s32 s5, $0x0;
	s5 =	sld [smem:$0x3FB2]  }
0x2b: {  	s6 =	sld [smem:$0x3FB3]  }
0x2c: {  	s7 =	sld [smem:$0x3FB4]  }
0x2d: {  	s3 =	simm.s32 $0x108;
	s8 =	sld [smem:$0x3FB5]  }
0x2e: {  	s3 =	simm.s32 @!p0 $0x1082;
	s9 =	sld [smem:$0x3FB6]  }
0x2f: {  	lr =	sadd.s32 s0, s3;
	s0 =	sld [smem:$0x3FAD]  }
0x30: {  	s3 =	sld [smem:$0x3FB0]  }
0x31: {  	[smem:$0x3FB9] =	sst s10  }
0x32: {  	s10 =	sld [smem:$0x3FB7];
	_ =	sdelay $0x3  }
0x33: {  	p0 =	seq.s32 s10, $0x1;
	s10 =	sld [smem:$0x3FB9];
	_ =	sdelay $0x3  }
0x34: {  	[smem:$0x3FB9] =	sst s10  }
0x35: {  	s10 =	sld [smem:$0x3FB8];
	_ =	sdelay $0x3  }
0x36: {  	p1 =	seq.s32 s10, $0x1;
	s10 =	sld [smem:$0x3FB9];
	_ =	sdelay $0x3  }
0x37: {  	[smem:$0x3FB9] =	sst s10  }
0x38: {  	s10 =	sld [smem:$0x3FBA]  }
0x39: {  	_ = 	snop;
	(pc) =	sbr.ind lr, $3  }
0x3a: {  	_ = 	snop  }
0x3b: {  	_ = 	snop  }
0x3c: {  	p2 =	seq.s32 s10, $0x1;
	s10 =	sld [smem:$0x3FB9]  }
0x3d: {  	_ =	shalt  }
0x3e: {  	_ =	shalt  }
0x3f: {  	_ =	shalt  }
0x40: {  	_ =	shalt  }
0x41: {  	_ =	shalt  }
0x42: {  	_ =	shalt  }
0x43: {  	_ =	shalt  }
0x44: {  	_ =	shalt  }
0x45: {  	_ =	shalt  }
0x46: {  	_ =	shalt  }
0x47: {  	_ =	shalt  }
0x48: {  	_ =	shalt  }
0x49: {  	_ =	shalt  }
0x4a: {  	_ =	shalt  }
0x4b: {  	_ =	shalt  }
0x4c: {  	_ =	shalt  }
0x4d: {  	_ =	shalt  }
0x4e: {  	_ =	shalt  }
0x4f: {  	_ =	shalt  }
0x50: {  	_ =	shalt  }
0x51: {  	_ =	shalt  }
0x52: {  	_ =	shalt  }
0x53: {  	_ =	shalt  }
0x54: {  	_ =	shalt  }
0x55: {  	_ =	shalt  }
0x56: {  	_ =	shalt  }
0x57: {  	_ =	shalt  }
0x58: {  	_ =	shalt  }
0x59: {  	_ =	shalt  }
0x5a: {  	_ =	shalt  }
0x5b: {  	_ =	shalt  }
0x5c: {  	_ =	shalt  }
0x5d: {  	_ =	shalt  }
0x5e: {  	_ =	shalt  }
0x5f: {  	_ =	shalt  }
0x60: {  	_ =	shalt  }
0x61: {  	_ =	shalt  }
0x62: {  	_ =	shalt  }
0x63: {  	_ =	shalt  }
0x64: {  	_ =	shalt  }
0x65: {  	_ =	shalt  }
0x66: {  	_ =	shalt  }
0x67: {  	_ =	shalt  }
0x68: {  	_ =	shalt  }
0x69: {  	_ =	shalt  }
0x6a: {  	_ =	shalt  }
0x6b: {  	_ =	shalt  }
0x6c: {  	_ =	shalt  }
0x6d: {  	_ =	shalt  }
0x6e: {  	_ =	shalt  }
0x6f: {  	_ =	shalt  }
0x70: {  	_ =	shalt  }
0x71: {  	_ =	shalt  }
0x72: {  	_ =	shalt  }
0x73: {  	_ =	shalt  }
0x74: {  	_ =	shalt  }
0x75: {  	_ =	shalt  }
0x76: {  	_ =	shalt  }
0x77: {  	_ =	shalt  }
0x78: {  	_ =	shalt  }
0x79: {  	_ =	shalt  }
0x7a: {  	_ =	shalt  }
0x7b: {  	_ =	shalt  }
0x7c: {  	_ =	shalt  }
0x7d: {  	_ =	shalt  }
0x7e: {  	_ =	shalt  }
0x7f: {  	_ =	shalt  }
0x80: {  	_ =	shalt  }
0x81: {  	_ =	shalt  }
0x82: {  	_ =	shalt  }
0x83: {  	_ =	shalt  }
0x84: {  	_ =	shalt  }
0x85: {  	_ =	shalt  }
0x86: {  	_ =	shalt  }
0x87: {  	_ =	shalt  }
.Lfunc_end0:
.L_simem_size_0:
called_computation_lowered:
.L_overlay_start_0:
0x88: {  	s2 =	sld [smem:$0x3FD9]  }
0x89: {  	s3 =	sld [smem:$0x3FFE];
	_ =	sdelay $0x1  }
0x8a: {  	s1 =	srdreg.scid  }
0x8b: {  	s0 =	sand.u32 $0x1, s1  }
0x8c: {  	s15 =	sshll.u32 s0, $0xA;
	s2 =	sadd.s32 s3, s2  }
0x8d: {  	s2 =	sadd.s32 s2, s15  }
0x8e: {  	[smem:$0x3FC5] =	sst s2  }
0x8f: {  	_ = 	snop  }
0x90: {  	s2 =	sld [smem:$0x3FD0];
	_ =	sdelay $0x2  }
0x91: {  	s16 =	simm.s32 $0xA;
	s4 =	simm.s32 $0x10  }
0x92: {  	[smem:s4], [sflag:s16] =	dma.local [hbm:s2], $0x1  }
0x93: {  	_ =	swait.eq [sflag:s16], $0x1  }
0x94: {  	s17 =	sld [smem:$0x10];
	[sflag:s16] =	ssyncset.done $0x0  }
0x95: {  	s18 =	sld [smem:$0x11];
	[sflag:s16] =	ssyncadd.s32 $0xFFFFFFFF  }
0x96: {  	s19 =	sld [smem:$0x12];
	(tm) =	ssettm $0x1  }
0x97: {  	s5 =	sld [smem:$0x3FFB];
	_ =	sdelay $0x3  }
0x98: {  	_ =	strace s5  }
0x99: {  	s5 =	sld [smem:$0x3FFC];
	_ =	sdelay $0x3  }
0x9a: {  	_ =	strace s5  }
0x9b: {  	s5 =	sld [smem:$0x3FFD];
	_ =	sdelay $0x3  }
0x9c: {  	_ =	strace s5  }
0x9d: {  	_ =	strace $0x8FFFFFFF  }
0x9e: {  	s20 =	sld [smem:$0x3FDB];
	_ =	sdelay $0x1  }
0x9f: {  	s6 =	simm.s32 $_scs_section_size  }
0xa0: {  	s7 =	simm.s32 $_size__tile_overlayer_lowered;
	s8 =	simm.s32 $_tile_overlayer_lowered  }
0xa1: {  	s23 =	simm.s32 $0x1BFF;
	s22 =	sshll.u32 s8, $0x1;
	s5 =	sadd.s32 s6, s20  }
0xa2: {  	s9 =	simm.s32 $0x0;
	s21 =	sshll.u32 s7, $0x1;
	s7 =	sadd.s32 s22, s5  }
0xa3: {  	[timem:s9], [sflag:s23] =	dma.local [hbm:s7], s21  }
0xa4: {  	_ =	swait.ge [sflag:s23], s21  }
0xa5: {  	s6 =	ssub.s32 $0x0, s21;
	[sflag:s23] =	ssyncset.done $0x0  }
0xa6: {  	[sflag:s23] =	ssyncadd.s32 s6;
	_ =	sdelay $0x1  }
0xa7: {  	s24 =	simm.s32 $0x1B8B  }
0xa8: {  	_ =	swait.ge [sflag:s24], $0x1  }
0xa9: {  	[sflag:s24] =	ssyncset.done $0x0  }
0xaa: {  	s25 =	simm.s32 $0x1B8E;
	[sflag:s24] =	ssyncadd.s32 $0xFFFFFFFF  }
0xab: {  	s26 =	simm.s32 $execute0_lowered;
	[smem:$0x3FD2] =	sst s25  }
0xac: {  	s6 =	sshll.u32 s26, $0x1;
	_ =	strace $0x80000046;
	[dreg:$0x1] =	wrdreg $0xFFFFFFFF  }
0xad: {  	s28 =	simm.s32 $_size_execute0_lowered;
	s5 =	sadd.s32 s5, s6;
	[dreg:$0x0] =	wrdreg $0x0  }
0xae: {  	s6 =	sshll.u32 s28, $0x1;
	[dreg:$0x2] =	wrdreg s5  }
0xaf: {  	[dreg:$0x3] =	wrdreg s6  }
0xb0: {  	[dreg:$0x4] =	wrdreg $0xC0  }
0xb1: {  	_ =	task [dreg:s9], $0x5FFFF  }
0xb2: {  	[dreg:$0x1] =	wrdreg $0xFFFFFFFF  }
0xb3: {  	[dreg:$0x0] =	wrdreg $0x60  }
0xb4: {  	[dreg:$0x2] =	wrdreg s18  }
0xb5: {  	[dreg:$0x3] =	wrdreg s17  }
0xb6: {  	[dreg:$0x4] =	wrdreg s19  }
0xb7: {  	[dreg:$0x5] =	wrdreg $0x41100  }
0xb8: {  	[dreg:$0x6] =	wrdreg $0x9  }
0xb9: {  	_ =	task.clear_ibuf [dreg:s9], $0x7FFFF;
	_ =	strace $0x90000046  }
0xba: {  	s29 =	simm.s32 $0x9;
	_ =	strace $0x80000048  }
0xbb: {  	_ =	swait.ge [sflag:s29], $0x1  }
0xbc: {  	[sflag:s29] =	ssyncadd.s32 $0xFFFFFFFF  }
0xbd: {  	_ =	strace $0x90000048  }
0xbe: {  	_ =	sfence  }
0xbf: {  	s30 =	sld [smem:$0x0];
	_ =	sdelay $0x2  }
0xc0: {  	s31 =	sshll.u32 s1, $0xD;
	s1 =	sshrl.u32 s1, $0x2  }
0xc1: {  	s3 =	sand.u32 $0x4000, s31;
	s1 =	sadd.s32 s1, s30  }
0xc2: {  	s0 =	sor.u32 s3, s0;
	s1 =	sshll.u32 s1, $0x11  }
0xc3: {  	s0 =	sor.u32 s1, s0  }
0xc4: {  	s0 =	sadd.s32 $0x8F2B, s0  }
0xc5: {  	[sflag:s0] =	ssyncadd.remote.s32 $0x1  }
0xc6: {  	_ =	sfence.sel $0xFFFF  }
0xc7: {  	[dreg:$0x0] =	wrdreg $0xFFFFFFFF;
	(pc) =	sbr.abs _section_cstart, $3  }
0xc8: {  	[dreg:$0x1] =	wrdreg $0xFFFFFFFF  }
0xc9: {  	_ =	task.clear_ibuf [dreg:s9], $0x2FFFF;
	_ =	strace $0x9FFFFFFF  }
0xca: {  	(tm) =	ssettm $0x7FFFFFFF  }
0xcb: {  	_ =	shalt  }
tec
execute0_lowered:
.L_overlay_start_1:
0x0: {  	(tag) =	ssettag $0x1  }
0x1: {  	s3 =	rddreg [dreg:$0x0]  }
0x2: {  	s4 =	rddreg [dreg:$0x1]  }
0x3: {  	s6 =	rddreg [dreg:$0x2]  }
0x4: {  	s1 =	rddreg [dreg:$0x3];
	s5 =	srdreg.scid  }
0x5: {  	s0 =	rddreg [dreg:$0x4];
	s2 =	simm.s32 $0x0;
	s10 =	stileid.u32  }
0x6: {  	s5 =	sand.u32 $0x1, s5;
	[smem:$0x7FF] =	sst s2;
	s9 =	sshll.u32 s10, $0xB  }
0x7: {  	s30 =	sshll.u32 s10, $0x4;
	p0 =	sne.s32 s10, $0x0;
	s10 =	simm.s32 $0x4000  }
0x8: {  	s7 =	ssub.s32 $0x2, s5;
	s11 =	sshll.u32 s5, $0xA;
	_ =	strace $0x80000047  }
0x9: {  	s31 =	sshll.u32 s5, $0x1;
	s5 =	sadd.s32 s30, s1;
	s8 =	sshrl.u32 s7, $0x1  }
0xa: {  	v0 =	vlaneseq.u32;
	s29 =	sor.u32 s11, s9;
	s6 =	sadd.s32 s6, s31;
	s9 =	simm.s32 $0x2000  }
0xb: {  	v0 =	vmul.u32 $0x10, v0;
	s11 =	simm.s32 $0x0;
	s7 =	ssub.s32 s7, s8;
	s3 =	sadd.s32 s3, s29  }
0xc: {  	v1 =	vimm.f32 $0.0e+00;
	s4 =	sadd.s32 s4, s29;
	s8 =	simm.s32 $0x1;
	s7 =	smax.u32 s7, $0x1  }
.LBB2_1:
0xd: {  	[tilespmem:s2], [sflag:$0x1] =	stream.linear.gather [hbm4b:s3+s2], $0x2000, $0x38;
	[tilespmem:$0x4120] =	vst v63  }
0xe: {  	v2 =	vmov s2;
	_ =	swait.ge [sflag:s8], $0x2000  }
0xf: {  	v2 =	vshll.u32 v2, $0x4;
	[sflag:s8] =	ssyncset.done $0x0  }
0x10: {  	v2 =	vor.u32 v0, v2;
	[sflag:s8] =	ssyncadd.s32 $0xFFFFE000  }
0x11: {  	[tilespmem:s9], [sflag:$0x1] =	stream.linear.gather [hbm4b:s4+s2], $0x2000, $0x38;
	[tilespmem:$0x4120] =	vst v63  }
0x12: {  	v3 =	vor.u32 $0x1, v2;
	_ =	swait.ge [sflag:s8], $0x2000  }
0x13: {  	[sflag:s8] =	ssyncset.done $0x0  }
0x14: {  	v4 =	vor.u32 $0x2, v2;
	[sflag:s8] =	ssyncadd.s32 $0xFFFFE000  }
0x15: {  	v5 =	vld.idx.msk [tilespmem:v2+s2+$0x0], $0xffff  }
0x16: {  	v6 =	vor.u32 $0x3, v2  }
0x17: {  	v8 =	vor.u32 $0x4, v2;
	v7 =	vld.idx.msk [tilespmem:v3+s2+$0x0], $0xffff;
	_ =	sdelay $0x1  }
0x18: {  	v9 =	vld.idx.msk [tilespmem:v4+s2+$0x0], $0xffff  }
0x19: {  	v10 =	vor.u32 $0x5, v2;
	v11 =	vadd.f32 $0.0e+00, v5  }
0x1a: {  	v12 =	vld.idx.msk [tilespmem:v6+s2+$0x0], $0xffff  }
0x1b: {  	v13 =	vor.u32 $0x6, v2;
	v14 =	vld.idx.msk [tilespmem:v8+s2+$0x0], $0xffff;
	v11 =	vadd.f32 v7, v11  }
0x1c: {  	v15 =	vld.idx.msk [tilespmem:v2+s9+$0x0], $0xffff  }
0x1d: {  	v16 =	vor.u32 $0x7, v2;
	v11 =	vadd.f32 v9, v11  }
0x1e: {  	v17 =	vld.idx.msk [tilespmem:v10+s2+$0x0], $0xffff  }
0x1f: {  	v18 =	vor.u32 $0x8, v2;
	v3 =	vld.idx.msk [tilespmem:v3+s9+$0x0], $0xffff;
	v11 =	vadd.f32 v12, v11  }
0x20: {  	v19 =	vld.idx.msk [tilespmem:v13+s2+$0x0], $0xffff;
	v2 =	vor.u32 $0x9, v2  }
0x21: {  	v4 =	vld.idx.msk [tilespmem:v4+s9+$0x0], $0xffff;
	vm0 =	vlt.f32 v15, $-Inf;
	vm1 =	vgt.f32 v15, $-Inf;
	v11 =	vadd.f32 v14, v11  }
0x22: {  	v20 =	vld.idx.msk [tilespmem:v16+s2+$0x0], $0xffff;
	vm0 =	vmor vm1, vm0  }
0x23: {  	v6 =	vld.idx.msk [tilespmem:v6+s9+$0x0], $0xffff;
	v15 =	vnsel vm0, $0xFF800000, v15;
	v11 =	vadd.f32 v17, v11  }
0x24: {  	v21 =	vld.idx.msk [tilespmem:v18+s2+$0x0], $0xffff;
	vm1 =	vgt.f32 v3, v15  }
0x25: {  	v8 =	vld.idx.msk [tilespmem:v8+s9+$0x0], $0xffff;
	v3 =	vsel vm1, v3, v15;
	v11 =	vadd.f32 v19, v11  }
0x26: {  	v22 =	vld.idx.msk [tilespmem:v2+s2+$0x0], $0xffff;
	vm2 =	vgt.f32 v4, v3  }
0x27: {  	s12 =	simm.s32 $0x10;
	v10 =	vld.idx.msk [tilespmem:v10+s9+$0x0], $0xffff;
	v3 =	vsel vm2, v4, v3;
	v11 =	vadd.f32 v20, v11  }
0x28: {  	v15 =	vmov s12;
	vm3 =	vgt.f32 v6, v3  }
0x29: {  	v13 =	vld.idx.msk [tilespmem:v13+s9+$0x0], $0xffff;
	v4 =	vshll.u32 v15, $0x4;
	v3 =	vsel vm3, v6, v3;
	v11 =	vadd.f32 v21, v11  }
0x2a: {  	v4 =	vor.u32 v0, v4;
	vm4 =	vgt.f32 v8, v3  }
0x2b: {  	v5 =	vnsel vm0, $0x0, v5;
	v3 =	vsel vm4, v8, v3;
	v6 =	vadd.f32 v22, v11;
	v11 =	vld.idx.msk [tilespmem:v16+s9+$0x0], $0xffff  }
0x2c: {  	v5 =	vsel vm1, v7, v5;
	v15 =	vor.u32 $0x1, v4;
	vm0 =	vgt.f32 v10, v3  }
0x2d: {  	v5 =	vsel vm2, v9, v5;
	v8 =	vld.idx.msk [tilespmem:v18+s9+$0x0], $0xffff;
	v3 =	vsel vm0, v10, v3;
	(erf) = vrcp.f32 v6  }
0x2e: {  	v5 =	vsel vm3, v12, v5;
	vm1 =	vgt.f32 v13, v3;
	v6 =	vor.u32 $0x2, v4  }
0x2f: {  	v5 =	vsel vm4, v14, v5;
	v7 =	vld.idx.msk [tilespmem:v4+s2+$0x0], $0xffff;
	v3 =	vsel vm1, v13, v3  }
0x30: {  	v2 =	vld.idx.msk [tilespmem:v2+s9+$0x0], $0xffff;
	v9 =	vor.u32 $0x3, v4;
	v5 =	vsel vm0, v17, v5;
	vm2 =	vgt.f32 v11, v3  }
0x31: {  	v10 =	vld.idx.msk [tilespmem:v15+s2+$0x0], $0xffff;
	v5 =	vsel vm1, v19, v5;
	v3 =	vsel vm2, v11, v3  }
0x32: {  	v12 =	vor.u32 $0x4, v4;
	v5 =	vsel vm2, v20, v5;
	vm0 =	vgt.f32 v8, v3  }
0x33: {  	v11 =	vld.idx.msk [tilespmem:v6+s2+$0x0], $0xffff;
	v5 =	vsel vm0, v21, v5  }
0x34: {  	v3 =	vsel vm0, v8, v3;
	v8 =	vadd.f32 $0.0e+00, v7  }
0x35: {  	v14 =	vld.idx.msk [tilespmem:v9+s2+$0x0], $0xffff;
	v13 =	vor.u32 $0x5, v4;
	vm0 =	vgt.f32 v2, v3  }
0x36: {  	v3 =	vsel vm0, v22, v5;
	v8 =	vadd.f32 v10, v8;
	v5 =	vpop (erf)  }
0x37: {  	v16 =	vld.idx.msk [tilespmem:v12+s2+$0x0], $0xffff;
	v2 =	vor.u32 $0x6, v4;
	v3 =	vmul.f32 v5, v3  }
0x38: {  	v5 =	vld.idx.msk [tilespmem:v4+s9+$0x0], $0xffff;
	v8 =	vadd.f32 v11, v8  }
0x39: {  	v17 =	vor.u32 $0x7, v4;
	v15 =	vld.idx.msk [tilespmem:v15+s9+$0x0], $0xffff;
	v3 =	vmax.f32 v3, $1.000000010e-07  }
0x3a: {  	v18 =	vld.idx.msk [tilespmem:v13+s2+$0x0], $0xffff;
	v8 =	vadd.f32 v14, v8;
	v3 =	vmin.f32 v3, $9.999998800e-01  }
0x3b: {  	v19 =	vor.u32 $0x8, v4;
	v22 =	vor.u32 $0x9, v4;
	v4 =	vld.idx.msk [tilespmem:v6+s9+$0x0], $0xffff;
	v21 =	vand.u32 $0x7FFFFF, v3  }
0x3c: {  	v20 =	vld.idx.msk [tilespmem:v2+s2+$0x0], $0xffff;
	v8 =	vadd.f32 v16, v8;
	v6 =	vor.u32 $0x3F800000, v21  }
0x3d: {  	vm0 =	vlt.f32 v5, $-Inf;
	vm1 =	vgt.f32 v5, $-Inf;
	v23 =	vmul.f32 $5.000000000e-01, v6  }
0x3e: {  	v21 =	vld.idx.msk [tilespmem:v17+s2+$0x0], $0xffff;
	vm1 =	vmor vm1, vm0;
	vm0 =	vgt.f32 v6, $1.414213540e+00  }
0x3f: {  	v9 =	vld.idx.msk [tilespmem:v9+s9+$0x0], $0xffff;
	v8 =	vadd.f32 v18, v8;
	v6 =	vsel vm0, v23, v6  }
0x40: {  	v24 =	vld.idx.msk [tilespmem:v19+s2+$0x0], $0xffff;
	v5 =	vnsel vm1, $0xFF800000, v5;
	v23 =	vadd.f32 $1.000000000e+00, v6  }
0x41: {  	v12 =	vld.idx.msk [tilespmem:v12+s9+$0x0], $0xffff;
	vm2 =	vgt.f32 v15, v5;
	v8 =	vadd.f32 v20, v8  }
0x42: {  	v25 =	vld.idx.msk [tilespmem:v22+s2+$0x0], $0xffff;
	v5 =	vsel vm2, v15, v5;
	(erf) = vrcp.f32 v23  }
0x43: {  	v3 =	vshrl.u32 v3, $0x17;
	vm3 =	vgt.f32 v4, v5;
	v8 =	vadd.f32 v21, v8  }
0x44: {  	s30 =	simm.s32 $0x20;
	v13 =	vld.idx.msk [tilespmem:v13+s9+$0x0], $0xffff;
	v3 =	vadd.s32 $0xFFFFFF81, v3;
	v4 =	vsel vm3, v4, v5  }
0x45: {  	v5 =	vmov s30;
	vm4 =	vgt.f32 v9, v4;
	v8 =	vadd.f32 v24, v8  }
0x46: {  	v2 =	vld.idx.msk [tilespmem:v2+s9+$0x0], $0xffff;
	v7 =	vnsel vm1, $0x0, v7;
	v5 =	vshll.u32 v5, $0x4;
	v9 =	vsel vm4, v9, v4  }
0x47: {  	v15 =	vor.u32 v0, v5;
	vm5 =	vgt.f32 v12, v9;
	v5 =	vadd.f32 v25, v8  }
0x48: {  	v3 =	vcvt.s32.f32 v3;
	v7 =	vsel vm2, v10, v7;
	v8 =	vld.idx.msk [tilespmem:v17+s9+$0x0], $0xffff;
	v9 =	vsel vm5, v12, v9  }
0x49: {  	v17 =	vor.u32 $0x1, v15;
	vm1 =	vgt.f32 v13, v9;
	(erf) = vrcp.f32 v5  }
0x4a: {  	v10 =	vadd.f32 $-1.000000000e+00, v6;
	v6 =	vsel vm3, v11, v7;
	v12 =	vld.idx.msk [tilespmem:v19+s9+$0x0], $0xffff;
	v9 =	vsel vm1, v13, v9  }
0x4b: {  	v11 =	vld.idx.msk [tilespmem:v22+s9+$0x0], $0xffff;
	v23 =	vor.u32 $0x2, v15;
	v13 =	vsel vm4, v14, v6;
	vm2 =	vgt.f32 v2, v9;
	v7 =	vpop (erf)  }
0x4c: {  	v6 =	vld.idx.msk [tilespmem:v15+s2+$0x0], $0xffff;
	v2 =	vsel vm2, v2, v9;
	v9 =	vsel vm5, v16, v13;
	v22 =	vmul.f32 v7, v10  }
0x4d: {  	v16 =	vor.u32 $0x3, v15;
	vm3 =	vgt.f32 v8, v2;
	v9 =	vsel vm1, v18, v9  }
0x4e: {  	v7 =	vld.idx.msk [tilespmem:v17+s2+$0x0], $0xffff;
	v2 =	vsel vm3, v8, v2;
	v9 =	vsel vm2, v20, v9;
	v8 =	vmul.f32 v22, v22  }
0x4f: {  	v27 =	vor.u32 $0x4, v15;
	vm1 =	vgt.f32 v12, v2;
	v10 =	vsel vm3, v21, v9  }
0x50: {  	v9 =	vld.idx.msk [tilespmem:v23+s2+$0x0], $0xffff;
	v2 =	vsel vm1, v12, v2;
	v10 =	vsel vm1, v24, v10;
	v12 =	vmul.f32 $2.857142980e-01, v8  }
0x51: {  	v26 =	vld.idx.msk [tilespmem:v15+s9+$0x0], $0xffff;
	v24 =	vor.u32 $0x5, v15;
	vm1 =	vgt.f32 v11, v2;
	v2 =	vadd.f32 $0.0e+00, v6  }
0x52: {  	v4 =	vor.u32 $0x9, v15;
	v11 =	vsel vm1, v25, v10;
	v13 =	vpop (erf);
	v10 =	vld.idx.msk [tilespmem:v16+s2+$0x0], $0xffff;
	v12 =	vadd.f32 $4.000000060e-01, v12  }
0x53: {  	v19 =	vor.u32 $0x6, v15;
	v13 =	vmul.f32 v13, v11;
	v2 =	vadd.f32 v7, v2  }
0x54: {  	v5 =	vor.u32 $0x8, v15;
	v18 =	vor.u32 $0x7, v15;
	v11 =	vld.idx.msk [tilespmem:v27+s2+$0x0], $0xffff;
	v12 =	vmul.f32 v12, v8  }
0x55: {  	v28 =	vld.idx.msk [tilespmem:v23+s9+$0x0], $0xffff;
	v23 =	vsel vm0, $0x3F800000, v1;
	v13 =	vmax.f32 v13, $1.000000010e-07;
	v14 =	vadd.f32 v9, v2  }
0x56: {  	vm2 =	vgt.f32 v26, $-Inf;
	v2 =	vmin.f32 v13, $9.999998800e-01;
	v13 =	vld.idx.msk [tilespmem:v24+s2+$0x0], $0xffff;
	v12 =	vadd.f32 $6.666666860e-01, v12  }
0x57: {  	v17 =	vld.idx.msk [tilespmem:v17+s9+$0x0], $0xffff;
	v3 =	vadd.f32 v3, v23;
	v15 =	vand.u32 $0x7FFFFF, v2;
	v20 =	vadd.f32 v10, v14  }
0x58: {  	vm1 =	vlt.f32 v26, $-Inf;
	v14 =	vld.idx.msk [tilespmem:v19+s2+$0x0], $0xffff;
	v21 =	vor.u32 $0x3F800000, v15;
	v8 =	vmul.f32 v12, v8  }
0x59: {  	v3 =	vmul.f32 $6.931471820e-01, v3;
	v20 =	vadd.f32 v11, v20;
	v12 =	vmul.f32 $5.000000000e-01, v21  }
0x5a: {  	vm1 =	vmor vm2, vm1;
	v15 =	vld.idx.msk [tilespmem:v18+s2+$0x0], $0xffff;
	vm0 =	vgt.f32 v21, $1.414213540e+00;
	v23 =	vadd.f32 $2.000000000e+00, v8  }
0x5b: {  	v8 =	vsel vm0, v12, v21;
	v12 =	vnsel vm1, $0xFF800000, v26;
	v21 =	vadd.f32 v13, v20;
	v20 =	vld.idx.msk [tilespmem:v16+s9+$0x0], $0xffff  }
0x5c: {  	v16 =	vld.idx.msk [tilespmem:v5+s2+$0x0], $0xffff;
	v25 =	vadd.f32 $1.000000000e+00, v8;
	vm2 =	vgt.f32 v17, v12;
	v22 =	vmul.f32 v23, v22  }
0x5d: {  	s31 =	simm.s32 $0x30;
	v23 =	vadd.f32 v14, v21;
	v12 =	vsel vm2, v17, v12;
	v21 =	vld.idx.msk [tilespmem:v27+s9+$0x0], $0xffff  }
0x5e: {  	v17 =	vld.idx.msk [tilespmem:v4+s2+$0x0], $0xffff;
	(erf) = vrcp.f32 v25;
	v3 =	vadd.f32 v22, v3;
	v22 =	vmov s31  }
0x5f: {  	vm3 =	vgt.f32 v28, v12;
	v23 =	vadd.f32 v15, v23;
	v25 =	vshll.u32 v22, $0x4  }
0x60: {  	s12 =	simm.s32 $0x40;
	v22 =	vld.idx.msk [tilespmem:v24+s9+$0x0], $0xffff;
	v24 =	vsel vm3, v28, v12;
	v12 =	vsub.f32 $0.0e+00, v3;
	v3 =	vimm.f32 $0.0e+00  }
.LBB2_2:
0x61: {  	p1 =	sne.s32 s12, $0x1F0;
	v25 =	vor.u32 v0, v25;
	vm4 =	vgt.f32 v20, v24;
	v19 =	vld.idx.msk [tilespmem:v19+s9+$0x0], $0xffff;
	v23 =	vadd.f32 v16, v23  }
0x62: {  	v26 =	vor.u32 $0x9, v25;
	v20 =	vsel vm4, v20, v24;
	v3 =	vadd.f32 v12, v3  }
0x63: {  	v12 =	vor.u32 $0x8, v25;
	vm5 =	vgt.f32 v21, v20;
	v18 =	vld.idx.msk [tilespmem:v18+s9+$0x0], $0xffff;
	v23 =	vadd.f32 v17, v23  }
0x64: {  	v24 =	vor.u32 $0x1, v25;
	v27 =	vor.u32 $0x2, v25;
	v20 =	vsel vm5, v21, v20  }
0x65: {  	v21 =	vnsel vm1, $0x0, v6;
	vm1 =	vgt.f32 v22, v20;
	v28 =	vld.idx.msk [tilespmem:v5+s9+$0x0], $0xffff;
	(erf) = vrcp.f32 v23;
	v5 =	vmovc v12  }
0x66: {  	v8 =	vadd.f32 $-1.000000000e+00, v8;
	v7 =	vsel vm2, v7, v21;
	v6 =	vld.idx.msk [tilespmem:v25+s2+$0x0], $0xffff;
	v12 =	vsel vm1, v22, v20  }
0x67: {  	v20 =	vor.u32 $0x3, v25;
	v7 =	vsel vm3, v9, v7;
	vm2 =	vgt.f32 v19, v12;
	v21 =	vld.idx.msk [tilespmem:v4+s9+$0x0], $0xffff;
	v4 =	vpop (erf)  }
0x68: {  	v9 =	vsel vm4, v10, v7;
	v10 =	vsel vm2, v19, v12;
	v12 =	vmul.f32 v4, v8;
	v4 =	vmovc v26  }
0x69: {  	v22 =	vor.u32 $0x4, v25;
	v8 =	vsel vm5, v11, v9;
	v7 =	vld.idx.msk [tilespmem:v24+s2+$0x0], $0xffff;
	vm3 =	vgt.f32 v18, v10  }
0x6a: {  	v8 =	vsel vm1, v13, v8;
	v23 =	vld.idx.msk [tilespmem:v25+s9+$0x0], $0xffff;
	v10 =	vsel vm3, v18, v10;
	v26 =	vmul.f32 v12, v12  }
0x6b: {  	v29 =	vor.u32 $0x5, v25;
	v8 =	vsel vm2, v14, v8;
	v9 =	vld.idx.msk [tilespmem:v27+s2+$0x0], $0xffff;
	vm1 =	vgt.f32 v28, v10  }
0x6c: {  	v8 =	vsel vm3, v15, v8;
	v11 =	vsel vm1, v28, v10;
	v13 =	vmul.f32 $2.857142980e-01, v26  }
0x6d: {  	v14 =	vadd.f32 $0.0e+00, v6;
	v8 =	vsel vm1, v16, v8;
	v10 =	vld.idx.msk [tilespmem:v20+s2+$0x0], $0xffff;
	vm1 =	vgt.f32 v21, v11  }
0x6e: {  	v19 =	vor.u32 $0x6, v25;
	v8 =	vsel vm1, v17, v8;
	v15 =	vpop (erf);
	v13 =	vadd.f32 $4.000000060e-01, v13  }
0x6f: {  	v18 =	vor.u32 $0x7, v25;
	v14 =	vadd.f32 v7, v14;
	v11 =	vld.idx.msk [tilespmem:v22+s2+$0x0], $0xffff;
	v8 =	vmul.f32 v15, v8  }
0x70: {  	vm1 =	vlt.f32 v23, $-Inf;
	vm2 =	vgt.f32 v23, $-Inf;
	v15 =	vmul.f32 v13, v26  }
0x71: {  	vm1 =	vmor vm2, vm1;
	v14 =	vadd.f32 v9, v14;
	v13 =	vld.idx.msk [tilespmem:v29+s2+$0x0], $0xffff;
	v8 =	vmax.f32 v8, $1.000000010e-07  }
0x72: {  	v16 =	vshrl.u32 v2, $0x17;
	v24 =	vld.idx.msk [tilespmem:v24+s9+$0x0], $0xffff;
	v2 =	vmin.f32 v8, $9.999998800e-01;
	v8 =	vadd.f32 $6.666666860e-01, v15  }
0x73: {  	v16 =	vadd.s32 $0xFFFFFF81, v16;
	v15 =	vadd.f32 v10, v14;
	v14 =	vld.idx.msk [tilespmem:v19+s2+$0x0], $0xffff;
	v17 =	vand.u32 $0x7FFFFF, v2  }
0x74: {  	v16 =	vcvt.s32.f32 v16;
	v27 =	vld.idx.msk [tilespmem:v27+s9+$0x0], $0xffff;
	v17 =	vor.u32 $0x3F800000, v17;
	v8 =	vmul.f32 v8, v26  }
0x75: {  	v21 =	vadd.f32 v11, v15;
	v26 =	vsel vm0, $0x3F800000, v1;
	v15 =	vld.idx.msk [tilespmem:v18+s2+$0x0], $0xffff;
	v25 =	vmul.f32 $5.000000000e-01, v17  }
0x76: {  	vm0 =	vgt.f32 v17, $1.414213540e+00;
	v26 =	vadd.f32 v16, v26;
	v20 =	vld.idx.msk [tilespmem:v20+s9+$0x0], $0xffff;
	v28 =	vadd.f32 $2.000000000e+00, v8  }
0x77: {  	v23 =	vnsel vm1, $0xFF800000, v23;
	v30 =	vadd.f32 v13, v21;
	v16 =	vld.idx.msk [tilespmem:v5+s2+$0x0], $0xffff;
	v8 =	vsel vm0, v25, v17  }
.Ltmp0:
0x78: {  	v25 =	vmul.f32 $6.931471820e-01, v26;
	v21 =	vld.idx.msk [tilespmem:v22+s9+$0x0], $0xffff;
	v22 =	vadd.f32 $1.000000000e+00, v8;
	v12 =	vmul.f32 v28, v12;
	(pc) =	sbr.rel @p1 .LBB2_2-.Ltmp0, $4  }
0x79: {  	vm2 =	vgt.f32 v24, v23;
	v26 =	vadd.f32 v14, v30;
	v17 =	vld.idx.msk [tilespmem:v4+s2+$0x0], $0xffff  }
0x7a: {  	v24 =	vsel vm2, v24, v23;
	(erf) = vrcp.f32 v22;
	v12 =	vadd.f32 v12, v25  }
0x7b: {  	vm3 =	vgt.f32 v27, v24;
	v25 =	vmov s12;
	v23 =	vadd.f32 v15, v26;
	v22 =	vld.idx.msk [tilespmem:v29+s9+$0x0], $0xffff  }
0x7c: {  	s12 =	sadd.s32 $0x10, s12;
	v24 =	vsel vm3, v27, v24;
	v25 =	vshll.u32 v25, $0x4;
	v12 =	vsub.f32 $0.0e+00, v12  }
0x7d: {  	v25 =	vor.u32 v0, v25;
	_ =	sdelay $0x1  }
0x7e: {  	v26 =	vor.u32 $0x1, v25;
	_ =	sdelay $0x1  }
0x7f: {  	vm4 =	vgt.f32 v20, v24;
	v23 =	vadd.f32 v16, v23;
	v19 =	vld.idx.msk [tilespmem:v19+s9+$0x0], $0xffff;
	v46 =	vor.u32 $0x2, v25  }
0x80: {  	v20 =	vsel vm4, v20, v24;
	v27 =	vld.idx.msk [tilespmem:v25+s2+$0x0], $0xffff  }
0x81: {  	v18 =	vld.idx.msk [tilespmem:v18+s9+$0x0], $0xffff;
	v47 =	vor.u32 $0x3, v25;
	vm5 =	vgt.f32 v21, v20;
	v23 =	vadd.f32 v17, v23  }
0x82: {  	v6 =	vnsel vm1, $0x0, v6;
	v20 =	vsel vm5, v21, v20;
	v48 =	vld.idx.msk [tilespmem:v26+s2+$0x0], $0xffff  }
0x83: {  	v5 =	vld.idx.msk [tilespmem:v5+s9+$0x0], $0xffff;
	v49 =	vor.u32 $0x4, v25;
	vm7 =	vgt.f32 v22, v20;
	(erf) = vrcp.f32 v23  }
0x84: {  	v6 =	vsel vm2, v7, v6;
	v51 =	vor.u32 $0x5, v25;
	v20 =	vsel vm7, v22, v20;
	v50 =	vld.idx.msk [tilespmem:v46+s2+$0x0], $0xffff  }
0x85: {  	v4 =	vld.idx.msk [tilespmem:v4+s9+$0x0], $0xffff;
	v6 =	vsel vm3, v9, v6;
	vm8 =	vgt.f32 v19, v20;
	v52 =	vadd.f32 $0.0e+00, v27  }
0x86: {  	v54 =	vor.u32 $0x6, v25;
	v6 =	vsel vm4, v10, v6;
	v53 =	vld.idx.msk [tilespmem:v47+s2+$0x0], $0xffff;
	v19 =	vsel vm8, v19, v20  }
0x87: {  	v6 =	vsel vm5, v11, v6;
	vm9 =	vgt.f32 v18, v19;
	v22 =	vadd.f32 v48, v52  }
0x88: {  	v57 =	vor.u32 $0x7, v25;
	v6 =	vsel vm7, v13, v6;
	v55 =	vld.idx.msk [tilespmem:v49+s2+$0x0], $0xffff;
	v18 =	vsel vm9, v18, v19  }
0x89: {  	v56 =	vld.idx.msk [tilespmem:v25+s9+$0x0], $0xffff;
	v6 =	vsel vm8, v14, v6;
	vm10 =	vgt.f32 v5, v18;
	v22 =	vadd.f32 v50, v22  }
0x8a: {  	v28 =	vor.u32 $0x8, v25;
	v58 =	vld.idx.msk [tilespmem:v51+s2+$0x0], $0xffff;
	v6 =	vsel vm9, v15, v6;
	v5 =	vsel vm10, v5, v18  }
0x8b: {  	v59 =	vpop (erf);
	v60 =	vld.idx.msk [tilespmem:v26+s9+$0x0], $0xffff;
	v6 =	vsel vm10, v16, v6;
	vm11 =	vgt.f32 v4, v5;
	v61 =	vadd.f32 v53, v22  }
0x8c: {  	v63 =	vld.idx.msk [tilespmem:v54+s2+$0x0], $0xffff;
	v6 =	vsel vm11, v17, v6;
	v62 =	vpop (erf)  }
0x8d: {  	v32 =	vor.u32 $0x9, v25;
	v33 =	vld.idx.msk [tilespmem:v46+s9+$0x0], $0xffff;
	v6 =	vmul.f32 v62, v6;
	v5 =	vadd.f32 v55, v61  }
0x8e: {  	v34 =	vld.idx.msk [tilespmem:v57+s2+$0x0], $0xffff;
	vm12 =	vlt.f32 v56, $-Inf;
	vm13 =	vgt.f32 v56, $-Inf  }
0x8f: {  	v21 =	vld.idx.msk [tilespmem:v47+s9+$0x0], $0xffff;
	vm2 =	vmor vm13, vm12;
	v6 =	vmax.f32 v6, $1.000000010e-07;
	v5 =	vadd.f32 v58, v5  }
0x90: {  	v35 =	vld.idx.msk [tilespmem:v28+s2+$0x0], $0xffff;
	v19 =	vnsel vm2, $0xFF800000, v56;
	v6 =	vmin.f32 v6, $9.999998800e-01  }
0x91: {  	v9 =	vld.idx.msk [tilespmem:v49+s9+$0x0], $0xffff;
	vm14 =	vgt.f32 v60, v19;
	v36 =	vand.u32 $0x7FFFFF, v6;
	v5 =	vadd.f32 v63, v5  }
0x92: {  	v29 =	vld.idx.msk [tilespmem:v32+s2+$0x0], $0xffff;
	v4 =	vsel vm14, v60, v19;
	v26 =	vor.u32 $0x3F800000, v36  }
0x93: {  	vm15 =	vgt.f32 v33, v4;
	v37 =	vmul.f32 $5.000000000e-01, v26;
	v5 =	vadd.f32 v34, v5  }
0x94: {  	v38 =	vld.idx.msk [tilespmem:v51+s9+$0x0], $0xffff;
	v4 =	vsel vm15, v33, v4;
	vm1 =	vgt.f32 v26, $1.414213540e+00  }
0x95: {  	vm9 =	vgt.f32 v21, v4;
	v19 =	vsel vm1, v37, v26;
	v5 =	vadd.f32 v35, v5  }
0x96: {  	v13 =	vld.idx.msk [tilespmem:v54+s9+$0x0], $0xffff;
	v4 =	vsel vm9, v21, v4;
	v39 =	vadd.f32 $1.000000000e+00, v19  }
0x97: {  	vm6 =	vgt.f32 v9, v4;
	v5 =	vadd.f32 v29, v5  }
0x98: {  	v40 =	vld.idx.msk [tilespmem:v57+s9+$0x0], $0xffff;
	v4 =	vsel vm6, v9, v4;
	(erf) = vrcp.f32 v39  }
0x99: {  	v41 =	vnsel vm2, $0x0, v27;
	vm10 =	vgt.f32 v38, v4;
	(erf) = vrcp.f32 v5  }
0x9a: {  	v43 =	vld.idx.msk [tilespmem:v28+s9+$0x0], $0xffff;
	v42 =	vsel vm14, v48, v41;
	v4 =	vsel vm10, v38, v4  }
0x9b: {  	vm11 =	vgt.f32 v13, v4;
	v5 =	vsel vm15, v50, v42  }
0x9c: {  	v44 =	vld.idx.msk [tilespmem:v32+s9+$0x0], $0xffff;
	v4 =	vsel vm11, v13, v4;
	v5 =	vsel vm9, v53, v5  }
0x9d: {  	vm12 =	vgt.f32 v40, v4;
	v5 =	vsel vm6, v55, v5  }
0x9e: {  	v4 =	vsel vm12, v40, v4;
	v5 =	vsel vm10, v58, v5  }
0x9f: {  	vm13 =	vgt.f32 v43, v4;
	v5 =	vsel vm11, v63, v5  }
0xa0: {  	v4 =	vsel vm13, v43, v4;
	v5 =	vsel vm12, v34, v5  }
0xa1: {  	vm14 =	vgt.f32 v44, v4;
	v45 =	vpop (erf);
	v5 =	vsel vm13, v35, v5  }
0xa2: {  	v4 =	vsel vm14, v29, v5;
	v46 =	vpop (erf)  }
0xa3: {  	v4 =	vmul.f32 v46, v4;
	_ =	sdelay $0x1  }
0xa4: {  	v4 =	vmax.f32 v4, $1.000000010e-07  }
0xa5: {  	v4 =	vmin.f32 v4, $9.999998800e-01  }
0xa6: {  	v47 =	vand.u32 $0x7FFFFF, v4  }
0xa7: {  	v5 =	vor.u32 $0x3F800000, v47  }
0xa8: {  	v48 =	vmul.f32 $5.000000000e-01, v5  }
0xa9: {  	vm15 =	vgt.f32 v5, $1.414213540e+00  }
0xaa: {  	v5 =	vsel vm15, v48, v5  }
0xab: {  	v9 =	vadd.f32 $1.000000000e+00, v5;
	_ =	sdelay $0x1  }
0xac: {  	(erf) = vrcp.f32 v9  }
0xad: {  	v8 =	vadd.f32 $-1.000000000e+00, v8;
	_ =	sdelay $0x1  }
0xae: {  	v8 =	vmul.f32 v59, v8;
	_ =	sdelay $0x1  }
0xaf: {  	v49 =	vmul.f32 v8, v8  }
0xb0: {  	v50 =	vadd.f32 $-1.000000000e+00, v19  }
0xb1: {  	v51 =	vmul.f32 $2.857142980e-01, v49  }
0xb2: {  	v7 =	vmul.f32 v45, v50;
	v5 =	vadd.f32 $-1.000000000e+00, v5  }
0xb3: {  	v52 =	vadd.f32 $4.000000060e-01, v51;
	v54 =	vpop (erf)  }
0xb4: {  	v53 =	vmul.f32 v7, v7;
	v5 =	vmul.f32 v54, v5  }
0xb5: {  	v10 =	vmul.f32 v52, v49  }
0xb6: {  	v55 =	vmul.f32 $2.857142980e-01, v53;
	v56 =	vmul.f32 v5, v5  }
0xb7: {  	v2 =	vshrl.u32 v2, $0x17;
	v10 =	vadd.f32 $6.666666860e-01, v10  }
0xb8: {  	v6 =	vshrl.u32 v6, $0x17;
	v13 =	vadd.f32 $4.000000060e-01, v55;
	v57 =	vmul.f32 $2.857142980e-01, v56  }
0xb9: {  	v2 =	vadd.s32 $0xFFFFFF81, v2;
	v6 =	vadd.s32 $0xFFFFFF81, v6  }
0xba: {  	v13 =	vmul.f32 v13, v53;
	v9 =	vmul.f32 v10, v49;
	v10 =	vadd.f32 $4.000000060e-01, v57  }
0xbb: {  	v2 =	vcvt.s32.f32 v2;
	v6 =	vcvt.s32.f32 v6;
	v58 =	vsel vm0, $0x3F800000, v1  }
0xbc: {  	v13 =	vadd.f32 $6.666666860e-01, v13;
	v9 =	vadd.f32 $2.000000000e+00, v9;
	v59 =	vmul.f32 v10, v56  }
0xbd: {  	v61 =	vsel vm1, $0x3F800000, v1;
	v2 =	vadd.f32 v2, v58;
	v4 =	vshrl.u32 v4, $0x17  }
0xbe: {  	v60 =	vmul.f32 v13, v53;
	v8 =	vmul.f32 v9, v8;
	v9 =	vadd.f32 $6.666666860e-01, v59  }
0xbf: {  	v6 =	vadd.f32 v6, v61;
	v2 =	vmul.f32 $6.931471820e-01, v2;
	v4 =	vadd.s32 $0xFFFFFF81, v4  }
0xc0: {  	v4 =	vcvt.s32.f32 v4;
	v10 =	vadd.f32 $2.000000000e+00, v60;
	v9 =	vmul.f32 v9, v56  }
0xc1: {  	v6 =	vmul.f32 $6.931471820e-01, v6;
	v62 =	vsel vm15, $0x3F800000, v1;
	v2 =	vadd.f32 v8, v2  }
0xc2: {  	v4 =	vadd.f32 v4, v62;
	v7 =	vmul.f32 v10, v7;
	v63 =	vadd.f32 $2.000000000e+00, v9  }
0xc3: {  	v3 =	vadd.f32 v12, v3;
	v2 =	vsub.f32 $0.0e+00, v2  }
0xc4: {  	v4 =	vmul.f32 $6.931471820e-01, v4;
	v6 =	vadd.f32 v7, v6;
	v5 =	vmul.f32 v63, v5  }
0xc5: {  	v2 =	vadd.f32 v2, v3  }
0xc6: {  	v3 =	vsub.f32 $0.0e+00, v6;
	v4 =	vadd.f32 v5, v4;
	_ =	sdelay $0x1  }
0xc7: {  	v2 =	vadd.f32 v3, v2;
	v3 =	vsub.f32 $0.0e+00, v4;
	_ =	sdelay $0x1  }
0xc8: {  	v2 =	vadd.f32 v3, v2;
	_ =	sdelay $0x1  }
0xc9: {  	[tilespmem:$0x4000] =	vst v2  }
0xca: {  	[spmem:s5] =	stream.linear.scatter [tilespmem:s10], [sflag:$0x1], $0x10, $0x38;
	[tilespmem:$0x4120] =	vst v63  }
0xcb: {  	_ =	swait.ge [sflag:s8], $0x10  }
0xcc: {  	[sflag:s8] =	ssyncset.done $0x0  }
0xcd: {  	[sflag:s8] =	ssyncadd.s32 $0xFFFFFFF0  }
0xce: {  	s12 =	simm.s32 @!p0 $0x4010;
	[bflag:$0x0] =	sbarrier.arrive $0xFFFF  }
0xcf: {  	[tilespmem:s12], [sflag:$0x1] =	stream.linear.gather @!p0 [spmem:s1], $0x100, $0x38;
	[tilespmem:$0x4120] =	vst v63  }
0xd0: {  	s12 =	simm.s32 @!p0 $0x1  }
0xd1: {  	_ =	swait.ge @!p0 [sflag:s12], $0x100  }
0xd2: {  	[sflag:s12] =	ssyncset.done @!p0 $0x0  }
0xd3: {  	[sflag:s12] =	ssyncadd.s32 @!p0 $0xFFFFFF00  }
0xd4: {  	v2 =	vld @!p0 [tilespmem:$0x4010]  }
0xd5: {  	v3 =	vld @!p0 [tilespmem:$0x4020];
	_ =	sdelay $0x1  }
0xd6: {  	v4 =	vld @!p0 [tilespmem:$0x4030];
	_ =	sdelay $0x1  }
0xd7: {  	v5 =	vld @!p0 [tilespmem:$0x4040]  }
0xd8: {  	v2 =	vadd.f32 @!p0 v3, v2  }
0xd9: {  	v3 =	vld @!p0 [tilespmem:$0x4050]  }
0xda: {  	v2 =	vadd.f32 @!p0 v4, v2  }
0xdb: {  	v4 =	vld @!p0 [tilespmem:$0x4060]  }
0xdc: {  	v2 =	vadd.f32 @!p0 v5, v2  }
0xdd: {  	v5 =	vld @!p0 [tilespmem:$0x4070]  }
0xde: {  	v2 =	vadd.f32 @!p0 v3, v2  }
0xdf: {  	v3 =	vld @!p0 [tilespmem:$0x4080]  }
0xe0: {  	v2 =	vadd.f32 @!p0 v4, v2  }
0xe1: {  	v4 =	vld @!p0 [tilespmem:$0x4090]  }
0xe2: {  	v2 =	vadd.f32 @!p0 v5, v2  }
0xe3: {  	v5 =	vld @!p0 [tilespmem:$0x40A0]  }
0xe4: {  	v2 =	vadd.f32 @!p0 v3, v2  }
0xe5: {  	v3 =	vld @!p0 [tilespmem:$0x40B0]  }
0xe6: {  	v2 =	vadd.f32 @!p0 v4, v2  }
0xe7: {  	v4 =	vld @!p0 [tilespmem:$0x40C0]  }
0xe8: {  	v2 =	vadd.f32 @!p0 v5, v2  }
0xe9: {  	v5 =	vld @!p0 [tilespmem:$0x40D0]  }
0xea: {  	v2 =	vadd.f32 @!p0 v3, v2  }
0xeb: {  	v3 =	vld @!p0 [tilespmem:$0x40E0]  }
0xec: {  	v2 =	vadd.f32 @!p0 v4, v2  }
0xed: {  	v4 =	vld @!p0 [tilespmem:$0x40F0]  }
0xee: {  	v2 =	vadd.f32 @!p0 v5, v2  }
0xef: {  	v5 =	vld @!p0 [tilespmem:$0x4100]  }
0xf0: {  	v2 =	vadd.f32 @!p0 v3, v2;
	_ =	sdelay $0x1  }
0xf1: {  	v2 =	vadd.f32 @!p0 v4, v2;
	_ =	sdelay $0x1  }
0xf2: {  	v2 =	vadd.f32 @!p0 v5, v2;
	_ =	sdelay $0x1  }
0xf3: {  	(xrf2) =	vadd.scan.msk.f32 @!p0 $0xffff, v2;
	_ =	sdelay $0x9  }
0xf4: {  	v2, _, _ =	vpop @!p0 (xrf2)  }
0xf5: {  	(v2sf) =	vpush @!p0 v2, $0xF;
	_ =	sdelay $0xe  }
0xf6: {  	s13 =	spop @!p0 (v2sf)  }
0xf7: {  	s13 =	smul.f32 @!p0 $3.051757810e-05, s13  }
0xf8: {  	s11 =	sadd.s32 $0x1, s11  }
0xf9: {  	p1 =	sne.s32 s11, s7;
	v2 =	vmov @!p0 s13  }
.Ltmp1:
0xfa: {  	s14 =	simm.s32 @!p0 $0x4000;
	s13 =	simm.s32 @!p0 $0x0;
	[tilespmem:$0x4000] =	vst @!p0 v2;
	(pc) =	sbr.rel @p1 .LBB2_1-.Ltmp1, $4  }
0xfb: {  	[hbm4b:s6+s13] =	stream.linear.scatter @!p0 [tilespmem:s14], [sflag:$0x1], $0x10, $0x38;
	[tilespmem:$0x4120] =	vst v63  }
0xfc: {  	_ =	swait.ge @!p0 [sflag:s12], $0x10  }
0xfd: {  	[sflag:s12] =	ssyncset.done @!p0 $0x0  }
0xfe: {  	[sflag:s12] =	ssyncadd.s32 @!p0 $0xFFFFFFF0  }
0xff: {  	_ =	sfence.sel $0x180000  }
0x100: {  	[bflag:$0x0] =	sbarrier.arrive $0xFFFF  }
0x101: {  	_ =	strace $0x90000047  }
0x102: {  	s0 =	sadd.s32 @!p0 $0x100000, s0;
	[bflag:$0x2] =	sbarrier.arrive $0xFFFF  }
0x103: {  	[sflag:s0] =	ssyncadd.tile.s32 @!p0 $0x1;
	_ =	shalt  }
.Lfunc_end2:
_tile_overlayer_lowered:
.L_overlay_start_2:
0x104: {  	(tag) =	ssettag $0x2  }
0x105: {  	s0 =	rddreg [dreg:$0x0];
	s2 =	stileid.u32  }
0x106: {  	s1 =	rddreg [dreg:$0x1];
	p0 =	sne.s32 s2, $0x0  }
0x107: {  	s3 =	rddreg [dreg:$0x2];
	[bflag:$0x3] =	sbarrier.arrive $0xFFFF;
	s2 =	simm.s32 @!p0 $0x1C01  }
0x108: {  	[timem:s3], [sflag:s2] =	dma.local @!p0 [hbm:s0], s1  }
0x109: {  	s0 =	simm.s32 @!p0 $0x1  }
0x10a: {  	_ =	swait.ge @!p0 [sflag:s0], s1  }
0x10b: {  	s1 =	ssub.s32 @!p0 $0x0, s1;
	[sflag:s0] =	ssyncset.done @!p0 $0x0  }
0x10c: {  	[sflag:s0] =	ssyncadd.s32 @!p0 s1  }
0x10d: {  	[bflag:$0x3] =	sbarrier.arrive $0xFFFF  }
0x10e: {  	_ =	shalt  }

</sc_bundles>
